<compile_context>
chip_gen: v7x
topology: tpu7x:2x2x1
jax: 0.10.2.dev20260603
libtpu: 0.0.44.dev20260713+nightly
codegen_flags: <defaults>
</compile_context>

<pallas_src>
import functools

import jax
import jax.numpy as jnp
from jax import lax
from jax.experimental import pallas as pl
from jax.experimental.pallas import tpu as pltpu
from jax.experimental.pallas import tpu_sc as plsc

_NB = 256
_BINS = _NB * _NB
_N = 8388608

_NC = 2
_NS = 16
_NW = _NC * _NS
_PER_W = _N // _NW
_CH = 8192
_NCHUNK = _PER_W // _CH

_mesh = plsc.VectorSubcoreMesh(core_axis_name="c", subcore_axis_name="s",
                               num_cores=_NC, num_subcores=_NS)


@functools.partial(
    pl.kernel,
    out_type=jax.ShapeDtypeStruct((_NW, _NB, _NB), jnp.float32),
    mesh=_mesh,
    scratch_types=[
        pltpu.VMEM((_NB, _NB), jnp.float32),
        pltpu.VMEM((_CH,), jnp.int32),
        pltpu.VMEM((_CH,), jnp.int32),
        pltpu.VMEM((_CH,), jnp.int32),
        pltpu.VMEM((_CH,), jnp.int32),
        pltpu.SemaphoreType.DMA,
        pltpu.SemaphoreType.DMA,
        pltpu.SemaphoreType.DMA,
        pltpu.SemaphoreType.DMA,
    ],
    compiler_params=pltpu.CompilerParams(needs_layout_passes=False),
)
def _joint_hist(g_hbm, i_hbm, out_hbm, hist, g0, g1, i0, i1,
                sg0, sg1, si0, si1):
    c = lax.axis_index("c")
    s = lax.axis_index("s")
    wid = s * _NC + c
    base = wid * _PER_W

    gb = [g0, g1]
    ib = [i0, i1]
    gsem = [sg0, sg1]
    isem = [si0, si1]
    ones = jnp.full((16,), 1.0, jnp.float32)
    zero16 = jnp.zeros((16,), jnp.float32)

    for b in range(2):
        off = base + b * _CH
        pltpu.async_copy(g_hbm.at[pl.ds(off, _CH)], gb[b], gsem[b])
        pltpu.async_copy(i_hbm.at[pl.ds(off, _CH)], ib[b], isem[b])

    @pl.loop(0, _NB)
    def _(r):
        for q in range(_NB // 16):
            hist[r, pl.ds(q * 16, 16)] = zero16

    @pl.loop(0, _NCHUNK, step=2)
    def _(chunk0):
        for b in range(2):
            chunk = chunk0 + b
            pltpu.make_async_copy(g_hbm.at[pl.ds(0, _CH)], gb[b], gsem[b]).wait()
            pltpu.make_async_copy(i_hbm.at[pl.ds(0, _CH)], ib[b], isem[b]).wait()

            @plsc.parallel_loop(0, _CH // 16, unroll=8)
            def _(j):
                gv = gb[b][pl.ds(j * 16, 16)]
                iv = ib[b][pl.ds(j * 16, 16)]
                plsc.addupdate_scatter(hist, [gv, iv], ones)

            @pl.when(chunk + 2 < _NCHUNK)
            def _():
                off = base + (chunk + 2) * _CH
                pltpu.async_copy(g_hbm.at[pl.ds(off, _CH)], gb[b], gsem[b])
                pltpu.async_copy(i_hbm.at[pl.ds(off, _CH)], ib[b], isem[b])

    pltpu.sync_copy(hist, out_hbm.at[wid])


def _mi_body(parts_ref, out_ref):
    counts = parts_ref[0]
    for t in range(1, _NW):
        counts = counts + parts_ref[t]
    joint = counts * (1.0 / _N)
    mg = jnp.sum(joint, axis=1, keepdims=True)
    mi = jnp.sum(joint, axis=0, keepdims=True)
    valid = counts > 0.0
    denom = jnp.where(valid, mg * mi, 1.0)
    ratio = jnp.where(valid, joint / denom, 1.0)
    terms = jnp.where(valid, joint * jnp.log(ratio), 0.0)
    out_ref[...] = jnp.sum(counts * terms, keepdims=True)


_mi_call = pl.pallas_call(
    _mi_body,
    out_shape=jax.ShapeDtypeStruct((1, 1), jnp.float32),
)


def kernel(global_vector, infered_vector):
    parts = _joint_hist(global_vector, infered_vector)
    mi = _mi_call(parts)
    return mi[0, 0]

# --- scband reference (transcript-rebuilt; emitter-appended) ---
"""Pipeline reference for scband-mutual-loss-int-39960375722008 (READ-ONLY COPY).

The authoritative reference and input builder live on the scoring server;
editing this copy changes nothing except your own understanding.
"""

import jax, jax.numpy as jnp
import numpy as np

NUM_BINS = 256
N = 8388608

def setup_inputs(seed: int = 0) -> dict:
    key = jax.random.key(seed)
    k1, k2 = jax.random.split(key)
    global_vector = jax.random.randint(k1, (N,), 0, NUM_BINS, dtype=jnp.int32)
    infered_vector = jax.random.randint(k2, (N,), 0, NUM_BINS, dtype=jnp.int32)
    return {"global_vector": global_vector, "infered_vector": infered_vector}

def reference(global_vector, infered_vector):
    n = global_vector.shape[0]
    # Joint histogram via bincount on flattened (g, i) pairs (scatter-add)
    flat = global_vector.astype(jnp.int32) * NUM_BINS + infered_vector.astype(jnp.int32)
    counts = jnp.bincount(flat, length=NUM_BINS * NUM_BINS).astype(jnp.float32)
    joint_prob = counts.reshape(NUM_BINS, NUM_BINS) / n
    marginal_global = jnp.sum(joint_prob, axis=1)
    marginal_infered = jnp.sum(joint_prob, axis=0)
    # Per-sample gathers, faithful to the original loop over all i in range(N)
    p_joint = joint_prob[global_vector, infered_vector]
    p_global = marginal_global[global_vector]
    p_infered = marginal_infered[infered_vector]
    valid = (p_joint > 0) & (p_global > 0) & (p_infered > 0)
    denom = jnp.where(valid, p_global * p_infered, 1.0)
    ratio = jnp.where(valid, p_joint / denom, 1.0)
    terms = jnp.where(valid, p_joint * jnp.log(ratio), 0.0)
    mutual_info = jnp.sum(terms)
    return mutual_info

if __name__ == "__main__":
    import jax
    _d = setup_inputs()
    print(jax.jit(kernel)(*tuple(_d.values())))

</pallas_src>

<mosaic_0001>
#map = affine_map<(d0, d1) -> (0)>
#map1 = affine_map<(d0, d1) -> (0, 0, 0)>
module attributes {stable_mosaic.version = 14 : i64} {
  func.func @_joint_hist(%arg0: i32, %arg1: i32, %arg2: memref<8388608xi32, #tpu.memory_space<hbm>>, %arg3: memref<8388608xi32, #tpu.memory_space<hbm>>, %arg4: memref<32x256x256xf32, #tpu.memory_space<hbm>>, %arg5: memref<256x256xf32, #tpu.memory_space<vmem>>, %arg6: memref<8192xi32, #tpu.memory_space<vmem>>, %arg7: memref<8192xi32, #tpu.memory_space<vmem>>, %arg8: memref<8192xi32, #tpu.memory_space<vmem>>, %arg9: memref<8192xi32, #tpu.memory_space<vmem>>, %arg10: memref<!tpu.dma_semaphore, #tpu.memory_space<semaphore_mem>>, %arg11: memref<!tpu.dma_semaphore, #tpu.memory_space<semaphore_mem>>, %arg12: memref<!tpu.dma_semaphore, #tpu.memory_space<semaphore_mem>>, %arg13: memref<!tpu.dma_semaphore, #tpu.memory_space<semaphore_mem>>) attributes {dimension_semantics = [#tpu.dimension_semantics<core_parallel>, #tpu.dimension_semantics<subcore_parallel>], iteration_bounds = array<i64: 2, 16>, scalar_prefetch = 0 : i64, scratch_operands = 9 : i64, tpu.core_type = #tpu.core_type<sc_vector_subcore>, window_params = [{transform_indices = #map}, {transform_indices = #map}, {transform_indices = #map1}]} {
    %mul3A = arith.constant 2 : i32
    %mul3A_0 = arith.muli %arg1, %mul3A : i32
    %add3A = arith.addi %mul3A_0, %arg0 : i32
    %mul3A_1 = arith.constant 262144 : i32
    %mul3A_2 = arith.muli %add3A, %mul3A_1 : i32
    %broadcast_in_dim3A = arith.constant 1.000000e+00 : f32
    %broadcast_in_dim3A_3 = vector.broadcast %broadcast_in_dim3A : f32 to vector<16xf32>
    %broadcast_in_dim3A_4 = arith.constant 0.000000e+00 : f32
    %broadcast_in_dim3A_5 = vector.broadcast %broadcast_in_dim3A_4 : f32 to vector<16xf32>
    %add3A_6 = arith.constant 0 : i32
    %add3A_7 = arith.addi %mul3A_2, %add3A_6 : i32
    %dma_start3A = tpu.memref_slice %arg2[%add3A_7] : memref<8388608xi32, #tpu.memory_space<hbm>> -> memref<8192xi32, #tpu.memory_space<hbm>>
    %dma_start3A_8 = tpu.memref_slice %arg2[%add3A_7] : memref<8388608xi32, #tpu.memory_space<hbm>> -> memref<8192xi32, #tpu.memory_space<hbm>>
    tpu.enqueue_dma source(%dma_start3A_8 : memref<8192xi32, #tpu.memory_space<hbm>>) target(%arg6 : memref<8192xi32, #tpu.memory_space<vmem>>) target_semaphore(%arg10 : memref<!tpu.dma_semaphore, #tpu.memory_space<semaphore_mem>>)
    %dma_start3A_9 = tpu.memref_slice %arg3[%add3A_7] : memref<8388608xi32, #tpu.memory_space<hbm>> -> memref<8192xi32, #tpu.memory_space<hbm>>
    %dma_start3A_10 = tpu.memref_slice %arg3[%add3A_7] : memref<8388608xi32, #tpu.memory_space<hbm>> -> memref<8192xi32, #tpu.memory_space<hbm>>
    tpu.enqueue_dma source(%dma_start3A_10 : memref<8192xi32, #tpu.memory_space<hbm>>) target(%arg8 : memref<8192xi32, #tpu.memory_space<vmem>>) target_semaphore(%arg12 : memref<!tpu.dma_semaphore, #tpu.memory_space<semaphore_mem>>)
    %add3A_11 = arith.constant 8192 : i32
    %add3A_12 = arith.addi %mul3A_2, %add3A_11 : i32
    %dma_start3A_13 = tpu.memref_slice %arg2[%add3A_12] : memref<8388608xi32, #tpu.memory_space<hbm>> -> memref<8192xi32, #tpu.memory_space<hbm>>
    %dma_start3A_14 = tpu.memref_slice %arg2[%add3A_12] : memref<8388608xi32, #tpu.memory_space<hbm>> -> memref<8192xi32, #tpu.memory_space<hbm>>
    tpu.enqueue_dma source(%dma_start3A_14 : memref<8192xi32, #tpu.memory_space<hbm>>) target(%arg7 : memref<8192xi32, #tpu.memory_space<vmem>>) target_semaphore(%arg11 : memref<!tpu.dma_semaphore, #tpu.memory_space<semaphore_mem>>)
    %dma_start3A_15 = tpu.memref_slice %arg3[%add3A_12] : memref<8388608xi32, #tpu.memory_space<hbm>> -> memref<8192xi32, #tpu.memory_space<hbm>>
    %dma_start3A_16 = tpu.memref_slice %arg3[%add3A_12] : memref<8388608xi32, #tpu.memory_space<hbm>> -> memref<8192xi32, #tpu.memory_space<hbm>>
    tpu.enqueue_dma source(%dma_start3A_16 : memref<8192xi32, #tpu.memory_space<hbm>>) target(%arg9 : memref<8192xi32, #tpu.memory_space<vmem>>) target_semaphore(%arg13 : memref<!tpu.dma_semaphore, #tpu.memory_space<semaphore_mem>>)
    %scan3A = arith.constant 0 : i32
    %scan3A_17 = arith.constant 256 : i32
    %scan3A_18 = arith.addi %scan3A, %scan3A_17 : i32
    %scan3A_19 = arith.constant 1 : i32
    scf.for %scan3A_26 = %scan3A to %scan3A_18 step %scan3A_19  : i32 {
      %mul3A_27 = arith.constant 1 : i32
      %mul3A_28 = arith.muli %scan3A_26, %mul3A_27 : i32
      %add3A_29 = arith.constant 0 : i32
      %add3A_30 = arith.addi %add3A_29, %mul3A_28 : i32
      %swap3A = arith.index_cast %add3A_30 : i32 to index
      %swap3A_31 = arith.constant 0 : index
      %swap3A_32 = tpu.vector_load %arg5[%swap3A, %swap3A_31] {strides = array<i32>} : memref<256x256xf32, #tpu.memory_space<vmem>>, vector<16xf32>,
      tpu.vector_store %arg5[%swap3A, %swap3A_31], %broadcast_in_dim3A_5 {strides = array<i32>} : memref<256x256xf32, #tpu.memory_space<vmem>>, vector<16xf32>,
      %swap3A_33 = arith.index_cast %add3A_30 : i32 to index
      %swap3A_34 = arith.constant 16 : index
      %swap3A_35 = tpu.vector_load %arg5[%swap3A_33, %swap3A_34] {strides = array<i32>} : memref<256x256xf32, #tpu.memory_space<vmem>>, vector<16xf32>,
      tpu.vector_store %arg5[%swap3A_33, %swap3A_34], %broadcast_in_dim3A_5 {strides = array<i32>} : memref<256x256xf32, #tpu.memory_space<vmem>>, vector<16xf32>,
      %swap3A_36 = arith.index_cast %add3A_30 : i32 to index
      %swap3A_37 = arith.constant 32 : index
      %swap3A_38 = tpu.vector_load %arg5[%swap3A_36, %swap3A_37] {strides = array<i32>} : memref<256x256xf32, #tpu.memory_space<vmem>>, vector<16xf32>,
      tpu.vector_store %arg5[%swap3A_36, %swap3A_37], %broadcast_in_dim3A_5 {strides = array<i32>} : memref<256x256xf32, #tpu.memory_space<vmem>>, vector<16xf32>,
      %swap3A_39 = arith.index_cast %add3A_30 : i32 to index
      %swap3A_40 = arith.constant 48 : index
      %swap3A_41 = tpu.vector_load %arg5[%swap3A_39, %swap3A_40] {strides = array<i32>} : memref<256x256xf32, #tpu.memory_space<vmem>>, vector<16xf32>,
      tpu.vector_store %arg5[%swap3A_39, %swap3A_40], %broadcast_in_dim3A_5 {strides = array<i32>} : memref<256x256xf32, #tpu.memory_space<vmem>>, vector<16xf32>,
      %swap3A_42 = arith.index_cast %add3A_30 : i32 to index
      %swap3A_43 = arith.constant 64 : index
      %swap3A_44 = tpu.vector_load %arg5[%swap3A_42, %swap3A_43] {strides = array<i32>} : memref<256x256xf32, #tpu.memory_space<vmem>>, vector<16xf32>,
      tpu.vector_store %arg5[%swap3A_42, %swap3A_43], %broadcast_in_dim3A_5 {strides = array<i32>} : memref<256x256xf32, #tpu.memory_space<vmem>>, vector<16xf32>,
      %swap3A_45 = arith.index_cast %add3A_30 : i32 to index
      %swap3A_46 = arith.constant 80 : index
      %swap3A_47 = tpu.vector_load %arg5[%swap3A_45, %swap3A_46] {strides = array<i32>} : memref<256x256xf32, #tpu.memory_space<vmem>>, vector<16xf32>,
      tpu.vector_store %arg5[%swap3A_45, %swap3A_46], %broadcast_in_dim3A_5 {strides = array<i32>} : memref<256x256xf32, #tpu.memory_space<vmem>>, vector<16xf32>,
      %swap3A_48 = arith.index_cast %add3A_30 : i32 to index
      %swap3A_49 = arith.constant 96 : index
      %swap3A_50 = tpu.vector_load %arg5[%swap3A_48, %swap3A_49] {strides = array<i32>} : memref<256x256xf32, #tpu.memory_space<vmem>>, vector<16xf32>,
      tpu.vector_store %arg5[%swap3A_48, %swap3A_49], %broadcast_in_dim3A_5 {strides = array<i32>} : memref<256x256xf32, #tpu.memory_space<vmem>>, vector<16xf32>,
      %swap3A_51 = arith.index_cast %add3A_30 : i32 to index
      %swap3A_52 = arith.constant 112 : index
      %swap3A_53 = tpu.vector_load %arg5[%swap3A_51, %swap3A_52] {strides = array<i32>} : memref<256x256xf32, #tpu.memory_space<vmem>>, vector<16xf32>,
      tpu.vector_store %arg5[%swap3A_51, %swap3A_52], %broadcast_in_dim3A_5 {strides = array<i32>} : memref<256x256xf32, #tpu.memory_space<vmem>>, vector<16xf32>,
      %swap3A_54 = arith.index_cast %add3A_30 : i32 to index
      %swap3A_55 = arith.constant 128 : index
      %swap3A_56 = tpu.vector_load %arg5[%swap3A_54, %swap3A_55] {strides = array<i32>} : memref<256x256xf32, #tpu.memory_space<vmem>>, vector<16xf32>,
      tpu.vector_store %arg5[%swap3A_54, %swap3A_55], %broadcast_in_dim3A_5 {strides = array<i32>} : memref<256x256xf32, #tpu.memory_space<vmem>>, vector<16xf32>,
      %swap3A_57 = arith.index_cast %add3A_30 : i32 to index
      %swap3A_58 = arith.constant 144 : index
      %swap3A_59 = tpu.vector_load %arg5[%swap3A_57, %swap3A_58] {strides = array<i32>} : memref<256x256xf32, #tpu.memory_space<vmem>>, vector<16xf32>,
      tpu.vector_store %arg5[%swap3A_57, %swap3A_58], %broadcast_in_dim3A_5 {strides = array<i32>} : memref<256x256xf32, #tpu.memory_space<vmem>>, vector<16xf32>,
      %swap3A_60 = arith.index_cast %add3A_30 : i32 to index
      %swap3A_61 = arith.constant 160 : index
      %swap3A_62 = tpu.vector_load %arg5[%swap3A_60, %swap3A_61] {strides = array<i32>} : memref<256x256xf32, #tpu.memory_space<vmem>>, vector<16xf32>,
      tpu.vector_store %arg5[%swap3A_60, %swap3A_61], %broadcast_in_dim3A_5 {strides = array<i32>} : memref<256x256xf32, #tpu.memory_space<vmem>>, vector<16xf32>,
      %swap3A_63 = arith.index_cast %add3A_30 : i32 to index
      %swap3A_64 = arith.constant 176 : index
      %swap3A_65 = tpu.vector_load %arg5[%swap3A_63, %swap3A_64] {strides = array<i32>} : memref<256x256xf32, #tpu.memory_space<vmem>>, vector<16xf32>,
      tpu.vector_store %arg5[%swap3A_63, %swap3A_64], %broadcast_in_dim3A_5 {strides = array<i32>} : memref<256x256xf32, #tpu.memory_space<vmem>>, vector<16xf32>,
      %swap3A_66 = arith.index_cast %add3A_30 : i32 to index
      %swap3A_67 = arith.constant 192 : index
      %swap3A_68 = tpu.vector_load %arg5[%swap3A_66, %swap3A_67] {strides = array<i32>} : memref<256x256xf32, #tpu.memory_space<vmem>>, vector<16xf32>,
      tpu.vector_store %arg5[%swap3A_66, %swap3A_67], %broadcast_in_dim3A_5 {strides = array<i32>} : memref<256x256xf32, #tpu.memory_space<vmem>>, vector<16xf32>,
      %swap3A_69 = arith.index_cast %add3A_30 : i32 to index
      %swap3A_70 = arith.constant 208 : index
      %swap3A_71 = tpu.vector_load %arg5[%swap3A_69, %swap3A_70] {strides = array<i32>} : memref<256x256xf32, #tpu.memory_space<vmem>>, vector<16xf32>,
      tpu.vector_store %arg5[%swap3A_69, %swap3A_70], %broadcast_in_dim3A_5 {strides = array<i32>} : memref<256x256xf32, #tpu.memory_space<vmem>>, vector<16xf32>,
      %swap3A_72 = arith.index_cast %add3A_30 : i32 to index
      %swap3A_73 = arith.constant 224 : index
      %swap3A_74 = tpu.vector_load %arg5[%swap3A_72, %swap3A_73] {strides = array<i32>} : memref<256x256xf32, #tpu.memory_space<vmem>>, vector<16xf32>,
      tpu.vector_store %arg5[%swap3A_72, %swap3A_73], %broadcast_in_dim3A_5 {strides = array<i32>} : memref<256x256xf32, #tpu.memory_space<vmem>>, vector<16xf32>,
      %swap3A_75 = arith.index_cast %add3A_30 : i32 to index
      %swap3A_76 = arith.constant 240 : index
      %swap3A_77 = tpu.vector_load %arg5[%swap3A_75, %swap3A_76] {strides = array<i32>} : memref<256x256xf32, #tpu.memory_space<vmem>>, vector<16xf32>,
      tpu.vector_store %arg5[%swap3A_75, %swap3A_76], %broadcast_in_dim3A_5 {strides = array<i32>} : memref<256x256xf32, #tpu.memory_space<vmem>>, vector<16xf32>,
    }
    %scan3A_20 = arith.constant 256 : i32
    %scan3A_21 = arith.constant 0 : i32
    %scan3A_22 = arith.constant 16 : i32
    %scan3A_23 = arith.addi %scan3A_21, %scan3A_22 : i32
    %scan3A_24 = arith.constant 1 : i32
    scf.for %scan3A_26 = %scan3A_21 to %scan3A_23 step %scan3A_24  : i32 {
      %mul3A_27 = arith.constant 2 : i32
      %mul3A_28 = arith.muli %scan3A_26, %mul3A_27 : i32
      %add3A_29 = arith.constant 0 : i32
      %add3A_30 = arith.addi %add3A_29, %mul3A_28 : i32
      %add3A_31 = arith.constant 0 : i32
      %add3A_32 = arith.addi %add3A_30, %add3A_31 : i32
      %dma_wait3A = arith.constant 0 : i32
      %dma_wait3A_33 = tpu.memref_slice %arg2[%dma_wait3A] : memref<8388608xi32, #tpu.memory_space<hbm>> -> memref<8192xi32, #tpu.memory_space<hbm>>
      %dma_wait3A_34 = arith.constant 0 : i32
      %dma_wait3A_35 = tpu.memref_slice %arg2[%dma_wait3A_34] : memref<8388608xi32, #tpu.memory_space<hbm>> -> memref<8192xi32, #tpu.memory_space<hbm>>
      tpu.wait_dma2 semaphore(%arg10 : memref<!tpu.dma_semaphore, #tpu.memory_space<semaphore_mem>>) src(%dma_wait3A_35 : memref<8192xi32, #tpu.memory_space<hbm>>) dst(%arg6 : memref<8192xi32, #tpu.memory_space<vmem>>)
      %dma_wait3A_36 = arith.constant 0 : i32
      %dma_wait3A_37 = tpu.memref_slice %arg3[%dma_wait3A_36] : memref<8388608xi32, #tpu.memory_space<hbm>> -> memref<8192xi32, #tpu.memory_space<hbm>>
      %dma_wait3A_38 = arith.constant 0 : i32
      %dma_wait3A_39 = tpu.memref_slice %arg3[%dma_wait3A_38] : memref<8388608xi32, #tpu.memory_space<hbm>> -> memref<8192xi32, #tpu.memory_space<hbm>>
      tpu.wait_dma2 semaphore(%arg12 : memref<!tpu.dma_semaphore, #tpu.memory_space<semaphore_mem>>) src(%dma_wait3A_39 : memref<8192xi32, #tpu.memory_space<hbm>>) dst(%arg8 : memref<8192xi32, #tpu.memory_space<vmem>>)
      %parallel_loop3A = arith.constant 0 : i32
      %parallel_loop3A_40 = arith.constant 512 : i32
      %parallel_loop3A_41 = arith.constant 1 : i32
      scf.for %parallel_loop3A_66 = %parallel_loop3A to %parallel_loop3A_40 step %parallel_loop3A_41  : i32 {
        %parallel_loop3A_67 = arith.constant 16 : i32
        %parallel_loop3A_68 = arith.muli %parallel_loop3A_66, %parallel_loop3A_67 : i32
        %parallel_loop3A_69 = arith.index_cast %parallel_loop3A_68 : i32 to index
        %parallel_loop3A_70 = tpu.vector_load %arg6[%parallel_loop3A_69] {strides = array<i32>} : memref<8192xi32, #tpu.memory_space<vmem>>, vector<16xi32>,
        %parallel_loop3A_71 = arith.constant 16 : i32
        %parallel_loop3A_72 = arith.muli %parallel_loop3A_66, %parallel_loop3A_71 : i32
        %parallel_loop3A_73 = arith.index_cast %parallel_loop3A_72 : i32 to index
        %parallel_loop3A_74 = tpu.vector_load %arg8[%parallel_loop3A_73] {strides = array<i32>} : memref<8192xi32, #tpu.memory_space<vmem>>, vector<16xi32>,
        tpu.vector_store_idx %arg5[%parallel_loop3A_70, %parallel_loop3A_74], %broadcast_in_dim3A_3 {add = true} : memref<256x256xf32, #tpu.memory_space<vmem>>[vector<16xi32>, vector<16xi32>], vector<16xf32>,
      } {sc.loop_unroll_factor = 8 : i64, sc.parallel_access}
      %add3A_42 = arith.constant 2 : i32
      %add3A_43 = arith.addi %add3A_32, %add3A_42 : i32
      %lt3A = arith.constant 32 : i32
      %lt3A_44 = arith.cmpi slt, %add3A_43, %lt3A : i32
      %convert_element_type3A = arith.extui %lt3A_44 : i1 to i32
      %cond3A = arith.constant 0 : i32
      %cond3A_45 = arith.cmpi ne, %convert_element_type3A, %cond3A : i32
      scf.if %cond3A_45 {
        %add3A_66 = arith.constant 2 : i32
        %add3A_67 = arith.addi %add3A_32, %add3A_66 : i32
        %mul3A_68 = arith.constant 8192 : i32
        %mul3A_69 = arith.muli %add3A_67, %mul3A_68 : i32
        %add3A_70 = arith.addi %mul3A_2, %mul3A_69 : i32
        %dma_start3A_71 = tpu.memref_slice %arg2[%add3A_70] : memref<8388608xi32, #tpu.memory_space<hbm>> -> memref<8192xi32, #tpu.memory_space<hbm>>
        %dma_start3A_72 = tpu.memref_slice %arg2[%add3A_70] : memref<8388608xi32, #tpu.memory_space<hbm>> -> memref<8192xi32, #tpu.memory_space<hbm>>
        tpu.enqueue_dma source(%dma_start3A_72 : memref<8192xi32, #tpu.memory_space<hbm>>) target(%arg6 : memref<8192xi32, #tpu.memory_space<vmem>>) target_semaphore(%arg10 : memref<!tpu.dma_semaphore, #tpu.memory_space<semaphore_mem>>)
        %dma_start3A_73 = tpu.memref_slice %arg3[%add3A_70] : memref<8388608xi32, #tpu.memory_space<hbm>> -> memref<8192xi32, #tpu.memory_space<hbm>>
        %dma_start3A_74 = tpu.memref_slice %arg3[%add3A_70] : memref<8388608xi32, #tpu.memory_space<hbm>> -> memref<8192xi32, #tpu.memory_space<hbm>>
        tpu.enqueue_dma source(%dma_start3A_74 : memref<8192xi32, #tpu.memory_space<hbm>>) target(%arg8 : memref<8192xi32, #tpu.memory_space<vmem>>) target_semaphore(%arg12 : memref<!tpu.dma_semaphore, #tpu.memory_space<semaphore_mem>>)
      } else {
      }
      %add3A_46 = arith.constant 1 : i32
      %add3A_47 = arith.addi %add3A_30, %add3A_46 : i32
      %dma_wait3A_48 = arith.constant 0 : i32
      %dma_wait3A_49 = tpu.memref_slice %arg2[%dma_wait3A_48] : memref<8388608xi32, #tpu.memory_space<hbm>> -> memref<8192xi32, #tpu.memory_space<hbm>>
      %dma_wait3A_50 = arith.constant 0 : i32
      %dma_wait3A_51 = tpu.memref_slice %arg2[%dma_wait3A_50] : memref<8388608xi32, #tpu.memory_space<hbm>> -> memref<8192xi32, #tpu.memory_space<hbm>>
      tpu.wait_dma2 semaphore(%arg11 : memref<!tpu.dma_semaphore, #tpu.memory_space<semaphore_mem>>) src(%dma_wait3A_51 : memref<8192xi32, #tpu.memory_space<hbm>>) dst(%arg7 : memref<8192xi32, #tpu.memory_space<vmem>>)
      %dma_wait3A_52 = arith.constant 0 : i32
      %dma_wait3A_53 = tpu.memref_slice %arg3[%dma_wait3A_52] : memref<8388608xi32, #tpu.memory_space<hbm>> -> memref<8192xi32, #tpu.memory_space<hbm>>
      %dma_wait3A_54 = arith.constant 0 : i32
      %dma_wait3A_55 = tpu.memref_slice %arg3[%dma_wait3A_54] : memref<8388608xi32, #tpu.memory_space<hbm>> -> memref<8192xi32, #tpu.memory_space<hbm>>
      tpu.wait_dma2 semaphore(%arg13 : memref<!tpu.dma_semaphore, #tpu.memory_space<semaphore_mem>>) src(%dma_wait3A_55 : memref<8192xi32, #tpu.memory_space<hbm>>) dst(%arg9 : memref<8192xi32, #tpu.memory_space<vmem>>)
      %parallel_loop3A_56 = arith.constant 0 : i32
      %parallel_loop3A_57 = arith.constant 512 : i32
      %parallel_loop3A_58 = arith.constant 1 : i32
      scf.for %parallel_loop3A_66 = %parallel_loop3A_56 to %parallel_loop3A_57 step %parallel_loop3A_58  : i32 {
        %parallel_loop3A_67 = arith.constant 16 : i32
        %parallel_loop3A_68 = arith.muli %parallel_loop3A_66, %parallel_loop3A_67 : i32
        %parallel_loop3A_69 = arith.index_cast %parallel_loop3A_68 : i32 to index
        %parallel_loop3A_70 = tpu.vector_load %arg7[%parallel_loop3A_69] {strides = array<i32>} : memref<8192xi32, #tpu.memory_space<vmem>>, vector<16xi32>,
        %parallel_loop3A_71 = arith.constant 16 : i32
        %parallel_loop3A_72 = arith.muli %parallel_loop3A_66, %parallel_loop3A_71 : i32
        %parallel_loop3A_73 = arith.index_cast %parallel_loop3A_72 : i32 to index
        %parallel_loop3A_74 = tpu.vector_load %arg9[%parallel_loop3A_73] {strides = array<i32>} : memref<8192xi32, #tpu.memory_space<vmem>>, vector<16xi32>,
        tpu.vector_store_idx %arg5[%parallel_loop3A_70, %parallel_loop3A_74], %broadcast_in_dim3A_3 {add = true} : memref<256x256xf32, #tpu.memory_space<vmem>>[vector<16xi32>, vector<16xi32>], vector<16xf32>,
      } {sc.loop_unroll_factor = 8 : i64, sc.parallel_access}
      %add3A_59 = arith.constant 2 : i32
      %add3A_60 = arith.addi %add3A_47, %add3A_59 : i32
      %lt3A_61 = arith.constant 32 : i32
      %lt3A_62 = arith.cmpi slt, %add3A_60, %lt3A_61 : i32
      %convert_element_type3A_63 = arith.extui %lt3A_62 : i1 to i32
      %cond3A_64 = arith.constant 0 : i32
      %cond3A_65 = arith.cmpi ne, %convert_element_type3A_63, %cond3A_64 : i32
      scf.if %cond3A_65 {
        %add3A_66 = arith.constant 2 : i32
        %add3A_67 = arith.addi %add3A_47, %add3A_66 : i32
        %mul3A_68 = arith.constant 8192 : i32
        %mul3A_69 = arith.muli %add3A_67, %mul3A_68 : i32
        %add3A_70 = arith.addi %mul3A_2, %mul3A_69 : i32
        %dma_start3A_71 = tpu.memref_slice %arg2[%add3A_70] : memref<8388608xi32, #tpu.memory_space<hbm>> -> memref<8192xi32, #tpu.memory_space<hbm>>
        %dma_start3A_72 = tpu.memref_slice %arg2[%add3A_70] : memref<8388608xi32, #tpu.memory_space<hbm>> -> memref<8192xi32, #tpu.memory_space<hbm>>
        tpu.enqueue_dma source(%dma_start3A_72 : memref<8192xi32, #tpu.memory_space<hbm>>) target(%arg7 : memref<8192xi32, #tpu.memory_space<vmem>>) target_semaphore(%arg11 : memref<!tpu.dma_semaphore, #tpu.memory_space<semaphore_mem>>)
        %dma_start3A_73 = tpu.memref_slice %arg3[%add3A_70] : memref<8388608xi32, #tpu.memory_space<hbm>> -> memref<8192xi32, #tpu.memory_space<hbm>>
        %dma_start3A_74 = tpu.memref_slice %arg3[%add3A_70] : memref<8388608xi32, #tpu.memory_space<hbm>> -> memref<8192xi32, #tpu.memory_space<hbm>>
        tpu.enqueue_dma source(%dma_start3A_74 : memref<8192xi32, #tpu.memory_space<hbm>>) target(%arg9 : memref<8192xi32, #tpu.memory_space<vmem>>) target_semaphore(%arg13 : memref<!tpu.dma_semaphore, #tpu.memory_space<semaphore_mem>>)
      } else {
      }
    }
    %scan3A_25 = arith.constant 16 : i32
    "tpu.region"() ({
      %run_scoped3A = tpu.sem_alloc : memref<!tpu.dma_semaphore, #tpu.memory_space<semaphore_mem>>
      %dma_start3A_26 = arith.constant 0 : i32
      %dma_start3A_27 = arith.constant 0 : i32
      %dma_start3A_28 = tpu.memref_slice %arg4[%add3A, %dma_start3A_26, %dma_start3A_27] : memref<32x256x256xf32, #tpu.memory_space<hbm>> -> memref<1x256x256xf32, #tpu.memory_space<hbm>>
      %dma_start3A_29 = tpu.memref_squeeze %dma_start3A_28 : memref<1x256x256xf32, #tpu.memory_space<hbm>> -> memref<256x256xf32, #tpu.memory_space<hbm>>
      %dma_start3A_30 = arith.constant 0 : i32
      %dma_start3A_31 = arith.constant 0 : i32
      %dma_start3A_32 = tpu.memref_slice %arg4[%add3A, %dma_start3A_30, %dma_start3A_31] : memref<32x256x256xf32, #tpu.memory_space<hbm>> -> memref<1x256x256xf32, #tpu.memory_space<hbm>>
      %dma_start3A_33 = tpu.memref_squeeze %dma_start3A_32 : memref<1x256x256xf32, #tpu.memory_space<hbm>> -> memref<256x256xf32, #tpu.memory_space<hbm>>
      tpu.enqueue_dma source(%arg5 : memref<256x256xf32, #tpu.memory_space<vmem>>) target(%dma_start3A_33 : memref<256x256xf32, #tpu.memory_space<hbm>>) target_semaphore(%run_scoped3A : memref<!tpu.dma_semaphore, #tpu.memory_space<semaphore_mem>>)
      %dma_wait3A = arith.constant 0 : i32
      %dma_wait3A_34 = arith.constant 0 : i32
      %dma_wait3A_35 = tpu.memref_slice %arg4[%add3A, %dma_wait3A, %dma_wait3A_34] : memref<32x256x256xf32, #tpu.memory_space<hbm>> -> memref<1x256x256xf32, #tpu.memory_space<hbm>>
      %dma_wait3A_36 = tpu.memref_squeeze %dma_wait3A_35 : memref<1x256x256xf32, #tpu.memory_space<hbm>> -> memref<256x256xf32, #tpu.memory_space<hbm>>
      %dma_wait3A_37 = arith.constant 0 : i32
      %dma_wait3A_38 = arith.constant 0 : i32
      %dma_wait3A_39 = tpu.memref_slice %arg4[%add3A, %dma_wait3A_37, %dma_wait3A_38] : memref<32x256x256xf32, #tpu.memory_space<hbm>> -> memref<1x256x256xf32, #tpu.memory_space<hbm>>
      %dma_wait3A_40 = tpu.memref_squeeze %dma_wait3A_39 : memref<1x256x256xf32, #tpu.memory_space<hbm>> -> memref<256x256xf32, #tpu.memory_space<hbm>>
      tpu.wait_dma2 semaphore(%run_scoped3A : memref<!tpu.dma_semaphore, #tpu.memory_space<semaphore_mem>>) src(%arg5 : memref<256x256xf32, #tpu.memory_space<vmem>>) dst(%dma_wait3A_40 : memref<256x256xf32, #tpu.memory_space<hbm>>)
      tpu.yield
    }) : () -> ()
    return
  }
}

module attributes {stable_mosaic.version = 14 : i64} {
  func.func @_mi_body(%arg0: memref<32x256x256xf32, #tpu.memory_space<vmem>>, %arg1: memref<1x1xf32, #tpu.memory_space<vmem>>) attributes {dimension_semantics = [], scalar_prefetch = 0 : i64, scratch_operands = 0 : i64, tpu.core_type = #tpu.core_type<tc>} {
    %get3A = arith.constant 0 : index
    %get3A_0 = arith.constant 0 : index
    %get3A_1 = arith.constant 0 : index
    %get3A_2 = vector.load %arg0[%get3A, %get3A_0, %get3A_1] : memref<32x256x256xf32, #tpu.memory_space<vmem>>, vector<1x256x256xf32>
    %get3A_3 = vector.shape_cast %get3A_2 : vector<1x256x256xf32> to vector<256x256xf32>
    %get3A_4 = arith.constant 1 : index
    %get3A_5 = arith.constant 0 : index
    %get3A_6 = arith.constant 0 : index
    %get3A_7 = vector.load %arg0[%get3A_4, %get3A_5, %get3A_6] : memref<32x256x256xf32, #tpu.memory_space<vmem>>, vector<1x256x256xf32>
    %get3A_8 = vector.shape_cast %get3A_7 : vector<1x256x256xf32> to vector<256x256xf32>
    %add3A = arith.addf %get3A_3, %get3A_8 : vector<256x256xf32>
    %get3A_9 = arith.constant 2 : index
    %get3A_10 = arith.constant 0 : index
    %get3A_11 = arith.constant 0 : index
    %get3A_12 = vector.load %arg0[%get3A_9, %get3A_10, %get3A_11] : memref<32x256x256xf32, #tpu.memory_space<vmem>>, vector<1x256x256xf32>
    %get3A_13 = vector.shape_cast %get3A_12 : vector<1x256x256xf32> to vector<256x256xf32>
    %add3A_14 = arith.addf %add3A, %get3A_13 : vector<256x256xf32>
    %get3A_15 = arith.constant 3 : index
    %get3A_16 = arith.constant 0 : index
    %get3A_17 = arith.constant 0 : index
    %get3A_18 = vector.load %arg0[%get3A_15, %get3A_16, %get3A_17] : memref<32x256x256xf32, #tpu.memory_space<vmem>>, vector<1x256x256xf32>
    %get3A_19 = vector.shape_cast %get3A_18 : vector<1x256x256xf32> to vector<256x256xf32>
    %add3A_20 = arith.addf %add3A_14, %get3A_19 : vector<256x256xf32>
    %get3A_21 = arith.constant 4 : index
    %get3A_22 = arith.constant 0 : index
    %get3A_23 = arith.constant 0 : index
    %get3A_24 = vector.load %arg0[%get3A_21, %get3A_22, %get3A_23] : memref<32x256x256xf32, #tpu.memory_space<vmem>>, vector<1x256x256xf32>
    %get3A_25 = vector.shape_cast %get3A_24 : vector<1x256x256xf32> to vector<256x256xf32>
    %add3A_26 = arith.addf %add3A_20, %get3A_25 : vector<256x256xf32>
    %get3A_27 = arith.constant 5 : index
    %get3A_28 = arith.constant 0 : index
    %get3A_29 = arith.constant 0 : index
    %get3A_30 = vector.load %arg0[%get3A_27, %get3A_28, %get3A_29] : memref<32x256x256xf32, #tpu.memory_space<vmem>>, vector<1x256x256xf32>
    %get3A_31 = vector.shape_cast %get3A_30 : vector<1x256x256xf32> to vector<256x256xf32>
    %add3A_32 = arith.addf %add3A_26, %get3A_31 : vector<256x256xf32>
    %get3A_33 = arith.constant 6 : index
    %get3A_34 = arith.constant 0 : index
    %get3A_35 = arith.constant 0 : index
    %get3A_36 = vector.load %arg0[%get3A_33, %get3A_34, %get3A_35] : memref<32x256x256xf32, #tpu.memory_space<vmem>>, vector<1x256x256xf32>
    %get3A_37 = vector.shape_cast %get3A_36 : vector<1x256x256xf32> to vector<256x256xf32>
    %add3A_38 = arith.addf %add3A_32, %get3A_37 : vector<256x256xf32>
    %get3A_39 = arith.constant 7 : index
    %get3A_40 = arith.constant 0 : index
    %get3A_41 = arith.constant 0 : index
    %get3A_42 = vector.load %arg0[%get3A_39, %get3A_40, %get3A_41] : memref<32x256x256xf32, #tpu.memory_space<vmem>>, vector<1x256x256xf32>
    %get3A_43 = vector.shape_cast %get3A_42 : vector<1x256x256xf32> to vector<256x256xf32>
    %add3A_44 = arith.addf %add3A_38, %get3A_43 : vector<256x256xf32>
    %get3A_45 = arith.constant 8 : index
    %get3A_46 = arith.constant 0 : index
    %get3A_47 = arith.constant 0 : index
    %get3A_48 = vector.load %arg0[%get3A_45, %get3A_46, %get3A_47] : memref<32x256x256xf32, #tpu.memory_space<vmem>>, vector<1x256x256xf32>
    %get3A_49 = vector.shape_cast %get3A_48 : vector<1x256x256xf32> to vector<256x256xf32>
    %add3A_50 = arith.addf %add3A_44, %get3A_49 : vector<256x256xf32>
    %get3A_51 = arith.constant 9 : index
    %get3A_52 = arith.constant 0 : index
    %get3A_53 = arith.constant 0 : index
    %get3A_54 = vector.load %arg0[%get3A_51, %get3A_52, %get3A_53] : memref<32x256x256xf32, #tpu.memory_space<vmem>>, vector<1x256x256xf32>
    %get3A_55 = vector.shape_cast %get3A_54 : vector<1x256x256xf32> to vector<256x256xf32>
    %add3A_56 = arith.addf %add3A_50, %get3A_55 : vector<256x256xf32>
    %get3A_57 = arith.constant 10 : index
    %get3A_58 = arith.constant 0 : index
    %get3A_59 = arith.constant 0 : index
    %get3A_60 = vector.load %arg0[%get3A_57, %get3A_58, %get3A_59] : memref<32x256x256xf32, #tpu.memory_space<vmem>>, vector<1x256x256xf32>
    %get3A_61 = vector.shape_cast %get3A_60 : vector<1x256x256xf32> to vector<256x256xf32>
    %add3A_62 = arith.addf %add3A_56, %get3A_61 : vector<256x256xf32>
    %get3A_63 = arith.constant 11 : index
    %get3A_64 = arith.constant 0 : index
    %get3A_65 = arith.constant 0 : index
    %get3A_66 = vector.load %arg0[%get3A_63, %get3A_64, %get3A_65] : memref<32x256x256xf32, #tpu.memory_space<vmem>>, vector<1x256x256xf32>
    %get3A_67 = vector.shape_cast %get3A_66 : vector<1x256x256xf32> to vector<256x256xf32>
    %add3A_68 = arith.addf %add3A_62, %get3A_67 : vector<256x256xf32>
    %get3A_69 = arith.constant 12 : index
    %get3A_70 = arith.constant 0 : index
    %get3A_71 = arith.constant 0 : index
    %get3A_72 = vector.load %arg0[%get3A_69, %get3A_70, %get3A_71] : memref<32x256x256xf32, #tpu.memory_space<vmem>>, vector<1x256x256xf32>
    %get3A_73 = vector.shape_cast %get3A_72 : vector<1x256x256xf32> to vector<256x256xf32>
    %add3A_74 = arith.addf %add3A_68, %get3A_73 : vector<256x256xf32>
    %get3A_75 = arith.constant 13 : index
    %get3A_76 = arith.constant 0 : index
    %get3A_77 = arith.constant 0 : index
    %get3A_78 = vector.load %arg0[%get3A_75, %get3A_76, %get3A_77] : memref<32x256x256xf32, #tpu.memory_space<vmem>>, vector<1x256x256xf32>
    %get3A_79 = vector.shape_cast %get3A_78 : vector<1x256x256xf32> to vector<256x256xf32>
    %add3A_80 = arith.addf %add3A_74, %get3A_79 : vector<256x256xf32>
    %get3A_81 = arith.constant 14 : index
    %get3A_82 = arith.constant 0 : index
    %get3A_83 = arith.constant 0 : index
    %get3A_84 = vector.load %arg0[%get3A_81, %get3A_82, %get3A_83] : memref<32x256x256xf32, #tpu.memory_space<vmem>>, vector<1x256x256xf32>
    %get3A_85 = vector.shape_cast %get3A_84 : vector<1x256x256xf32> to vector<256x256xf32>
    %add3A_86 = arith.addf %add3A_80, %get3A_85 : vector<256x256xf32>
    %get3A_87 = arith.constant 15 : index
    %get3A_88 = arith.constant 0 : index
    %get3A_89 = arith.constant 0 : index
    %get3A_90 = vector.load %arg0[%get3A_87, %get3A_88, %get3A_89] : memref<32x256x256xf32, #tpu.memory_space<vmem>>, vector<1x256x256xf32>
    %get3A_91 = vector.shape_cast %get3A_90 : vector<1x256x256xf32> to vector<256x256xf32>
    %add3A_92 = arith.addf %add3A_86, %get3A_91 : vector<256x256xf32>
    %get3A_93 = arith.constant 16 : index
    %get3A_94 = arith.constant 0 : index
    %get3A_95 = arith.constant 0 : index
    %get3A_96 = vector.load %arg0[%get3A_93, %get3A_94, %get3A_95] : memref<32x256x256xf32, #tpu.memory_space<vmem>>, vector<1x256x256xf32>
    %get3A_97 = vector.shape_cast %get3A_96 : vector<1x256x256xf32> to vector<256x256xf32>
    %add3A_98 = arith.addf %add3A_92, %get3A_97 : vector<256x256xf32>
    %get3A_99 = arith.constant 17 : index
    %get3A_100 = arith.constant 0 : index
    %get3A_101 = arith.constant 0 : index
    %get3A_102 = vector.load %arg0[%get3A_99, %get3A_100, %get3A_101] : memref<32x256x256xf32, #tpu.memory_space<vmem>>, vector<1x256x256xf32>
    %get3A_103 = vector.shape_cast %get3A_102 : vector<1x256x256xf32> to vector<256x256xf32>
    %add3A_104 = arith.addf %add3A_98, %get3A_103 : vector<256x256xf32>
    %get3A_105 = arith.constant 18 : index
    %get3A_106 = arith.constant 0 : index
    %get3A_107 = arith.constant 0 : index
    %get3A_108 = vector.load %arg0[%get3A_105, %get3A_106, %get3A_107] : memref<32x256x256xf32, #tpu.memory_space<vmem>>, vector<1x256x256xf32>
    %get3A_109 = vector.shape_cast %get3A_108 : vector<1x256x256xf32> to vector<256x256xf32>
    %add3A_110 = arith.addf %add3A_104, %get3A_109 : vector<256x256xf32>
    %get3A_111 = arith.constant 19 : index
    %get3A_112 = arith.constant 0 : index
    %get3A_113 = arith.constant 0 : index
    %get3A_114 = vector.load %arg0[%get3A_111, %get3A_112, %get3A_113] : memref<32x256x256xf32, #tpu.memory_space<vmem>>, vector<1x256x256xf32>
    %get3A_115 = vector.shape_cast %get3A_114 : vector<1x256x256xf32> to vector<256x256xf32>
    %add3A_116 = arith.addf %add3A_110, %get3A_115 : vector<256x256xf32>
    %get3A_117 = arith.constant 20 : index
    %get3A_118 = arith.constant 0 : index
    %get3A_119 = arith.constant 0 : index
    %get3A_120 = vector.load %arg0[%get3A_117, %get3A_118, %get3A_119] : memref<32x256x256xf32, #tpu.memory_space<vmem>>, vector<1x256x256xf32>
    %get3A_121 = vector.shape_cast %get3A_120 : vector<1x256x256xf32> to vector<256x256xf32>
    %add3A_122 = arith.addf %add3A_116, %get3A_121 : vector<256x256xf32>
    %get3A_123 = arith.constant 21 : index
    %get3A_124 = arith.constant 0 : index
    %get3A_125 = arith.constant 0 : index
    %get3A_126 = vector.load %arg0[%get3A_123, %get3A_124, %get3A_125] : memref<32x256x256xf32, #tpu.memory_space<vmem>>, vector<1x256x256xf32>
    %get3A_127 = vector.shape_cast %get3A_126 : vector<1x256x256xf32> to vector<256x256xf32>
    %add3A_128 = arith.addf %add3A_122, %get3A_127 : vector<256x256xf32>
    %get3A_129 = arith.constant 22 : index
    %get3A_130 = arith.constant 0 : index
    %get3A_131 = arith.constant 0 : index
    %get3A_132 = vector.load %arg0[%get3A_129, %get3A_130, %get3A_131] : memref<32x256x256xf32, #tpu.memory_space<vmem>>, vector<1x256x256xf32>
    %get3A_133 = vector.shape_cast %get3A_132 : vector<1x256x256xf32> to vector<256x256xf32>
    %add3A_134 = arith.addf %add3A_128, %get3A_133 : vector<256x256xf32>
    %get3A_135 = arith.constant 23 : index
    %get3A_136 = arith.constant 0 : index
    %get3A_137 = arith.constant 0 : index
    %get3A_138 = vector.load %arg0[%get3A_135, %get3A_136, %get3A_137] : memref<32x256x256xf32, #tpu.memory_space<vmem>>, vector<1x256x256xf32>
    %get3A_139 = vector.shape_cast %get3A_138 : vector<1x256x256xf32> to vector<256x256xf32>
    %add3A_140 = arith.addf %add3A_134, %get3A_139 : vector<256x256xf32>
    %get3A_141 = arith.constant 24 : index
    %get3A_142 = arith.constant 0 : index
    %get3A_143 = arith.constant 0 : index
    %get3A_144 = vector.load %arg0[%get3A_141, %get3A_142, %get3A_143] : memref<32x256x256xf32, #tpu.memory_space<vmem>>, vector<1x256x256xf32>
    %get3A_145 = vector.shape_cast %get3A_144 : vector<1x256x256xf32> to vector<256x256xf32>
    %add3A_146 = arith.addf %add3A_140, %get3A_145 : vector<256x256xf32>
    %get3A_147 = arith.constant 25 : index
    %get3A_148 = arith.constant 0 : index
    %get3A_149 = arith.constant 0 : index
    %get3A_150 = vector.load %arg0[%get3A_147, %get3A_148, %get3A_149] : memref<32x256x256xf32, #tpu.memory_space<vmem>>, vector<1x256x256xf32>
    %get3A_151 = vector.shape_cast %get3A_150 : vector<1x256x256xf32> to vector<256x256xf32>
    %add3A_152 = arith.addf %add3A_146, %get3A_151 : vector<256x256xf32>
    %get3A_153 = arith.constant 26 : index
    %get3A_154 = arith.constant 0 : index
    %get3A_155 = arith.constant 0 : index
    %get3A_156 = vector.load %arg0[%get3A_153, %get3A_154, %get3A_155] : memref<32x256x256xf32, #tpu.memory_space<vmem>>, vector<1x256x256xf32>
    %get3A_157 = vector.shape_cast %get3A_156 : vector<1x256x256xf32> to vector<256x256xf32>
    %add3A_158 = arith.addf %add3A_152, %get3A_157 : vector<256x256xf32>
    %get3A_159 = arith.constant 27 : index
    %get3A_160 = arith.constant 0 : index
    %get3A_161 = arith.constant 0 : index
    %get3A_162 = vector.load %arg0[%get3A_159, %get3A_160, %get3A_161] : memref<32x256x256xf32, #tpu.memory_space<vmem>>, vector<1x256x256xf32>
    %get3A_163 = vector.shape_cast %get3A_162 : vector<1x256x256xf32> to vector<256x256xf32>
    %add3A_164 = arith.addf %add3A_158, %get3A_163 : vector<256x256xf32>
    %get3A_165 = arith.constant 28 : index
    %get3A_166 = arith.constant 0 : index
    %get3A_167 = arith.constant 0 : index
    %get3A_168 = vector.load %arg0[%get3A_165, %get3A_166, %get3A_167] : memref<32x256x256xf32, #tpu.memory_space<vmem>>, vector<1x256x256xf32>
    %get3A_169 = vector.shape_cast %get3A_168 : vector<1x256x256xf32> to vector<256x256xf32>
    %add3A_170 = arith.addf %add3A_164, %get3A_169 : vector<256x256xf32>
    %get3A_171 = arith.constant 29 : index
    %get3A_172 = arith.constant 0 : index
    %get3A_173 = arith.constant 0 : index
    %get3A_174 = vector.load %arg0[%get3A_171, %get3A_172, %get3A_173] : memref<32x256x256xf32, #tpu.memory_space<vmem>>, vector<1x256x256xf32>
    %get3A_175 = vector.shape_cast %get3A_174 : vector<1x256x256xf32> to vector<256x256xf32>
    %add3A_176 = arith.addf %add3A_170, %get3A_175 : vector<256x256xf32>
    %get3A_177 = arith.constant 30 : index
    %get3A_178 = arith.constant 0 : index
    %get3A_179 = arith.constant 0 : index
    %get3A_180 = vector.load %arg0[%get3A_177, %get3A_178, %get3A_179] : memref<32x256x256xf32, #tpu.memory_space<vmem>>, vector<1x256x256xf32>
    %get3A_181 = vector.shape_cast %get3A_180 : vector<1x256x256xf32> to vector<256x256xf32>
    %add3A_182 = arith.addf %add3A_176, %get3A_181 : vector<256x256xf32>
    %get3A_183 = arith.constant 31 : index
    %get3A_184 = arith.constant 0 : index
    %get3A_185 = arith.constant 0 : index
    %get3A_186 = vector.load %arg0[%get3A_183, %get3A_184, %get3A_185] : memref<32x256x256xf32, #tpu.memory_space<vmem>>, vector<1x256x256xf32>
    %get3A_187 = vector.shape_cast %get3A_186 : vector<1x256x256xf32> to vector<256x256xf32>
    %add3A_188 = arith.addf %add3A_182, %get3A_187 : vector<256x256xf32>
    %mul3A = arith.constant 1.1920929E-7 : f32
    %mul3A_189 = vector.broadcast %mul3A : f32 to vector<256x256xf32>
    %mul3A_190 = arith.mulf %add3A_188, %mul3A_189 : vector<256x256xf32>
    %reduce_sum3A = arith.constant dense<0.000000e+00> : vector<256xf32>
    %reduce_sum3A_191 = vector.multi_reduction <add>, %mul3A_190, %reduce_sum3A [1] : vector<256x256xf32> to vector<256xf32>
    %broadcast_in_dim3A = vector.shape_cast %reduce_sum3A_191 : vector<256xf32> to vector<256x1xf32>
    %reduce_sum3A_192 = arith.constant dense<0.000000e+00> : vector<256xf32>
    %reduce_sum3A_193 = vector.multi_reduction <add>, %mul3A_190, %reduce_sum3A_192 [0] : vector<256x256xf32> to vector<256xf32>
    %broadcast_in_dim3A_194 = vector.shape_cast %reduce_sum3A_193 : vector<256xf32> to vector<1x256xf32>
    %gt3A = arith.constant 0.000000e+00 : f32
    %gt3A_195 = vector.broadcast %gt3A : f32 to vector<256x256xf32>
    %gt3A_196 = arith.cmpf ogt, %add3A_188, %gt3A_195 : vector<256x256xf32>
    %mul3A_197 = vector.broadcast %broadcast_in_dim3A : vector<256x1xf32> to vector<256x256xf32>
    %mul3A_198 = vector.broadcast %broadcast_in_dim3A_194 : vector<1x256xf32> to vector<256x256xf32>
    %mul3A_199 = arith.mulf %mul3A_197, %mul3A_198 : vector<256x256xf32>
    %jit3A = arith.constant 1.000000e+00 : f32
    %broadcast_in_dim3A_200 = vector.broadcast %jit3A : f32 to vector<256x256xf32>
    %select_n3A = arith.select %gt3A_196, %mul3A_199, %broadcast_in_dim3A_200 : vector<256x256xi1>, vector<256x256xf32>
    %div3A = arith.divf %mul3A_190, %select_n3A : vector<256x256xf32>
    %jit3A_201 = arith.constant 1.000000e+00 : f32
    %broadcast_in_dim3A_202 = vector.broadcast %jit3A_201 : f32 to vector<256x256xf32>
    %select_n3A_203 = arith.select %gt3A_196, %div3A, %broadcast_in_dim3A_202 : vector<256x256xi1>, vector<256x256xf32>
    %log3A = math.log %select_n3A_203 : vector<256x256xf32>
    %mul3A_204 = arith.mulf %mul3A_190, %log3A : vector<256x256xf32>
    %jit3A_205 = arith.constant 0.000000e+00 : f32
    %broadcast_in_dim3A_206 = vector.broadcast %jit3A_205 : f32 to vector<256x256xf32>
    %select_n3A_207 = arith.select %gt3A_196, %mul3A_204, %broadcast_in_dim3A_206 : vector<256x256xi1>, vector<256x256xf32>
    %mul3A_208 = arith.mulf %add3A_188, %select_n3A_207 : vector<256x256xf32>
    %reduce_sum3A_209 = vector.shape_cast %mul3A_208 : vector<256x256xf32> to vector<1x256x256xf32>
    %reduce_sum3A_210 = arith.constant dense<0.000000e+00> : vector<1xf32>
    %reduce_sum3A_211 = vector.multi_reduction <add>, %reduce_sum3A_209, %reduce_sum3A_210 [1, 2] : vector<1x256x256xf32> to vector<1xf32>
    %reduce_sum3A_212 = vector.shape_cast %reduce_sum3A_211 : vector<1xf32> to vector<1x1x1xf32>
    %reduce_sum3A_213 = vector.extract %reduce_sum3A_212[0, 0, 0] : f32 from vector<1x1x1xf32>
    %broadcast_in_dim3A_214 = vector.broadcast %reduce_sum3A_213 : f32 to vector<1x1xf32>
    %swap3A = arith.constant 0 : index
    %swap3A_215 = arith.constant 0 : index
    %swap3A_216 = vector.load %arg1[%swap3A, %swap3A_215] : memref<1x1xf32, #tpu.memory_space<vmem>>, vector<1x1xf32>
    tpu.vector_store %arg1[%swap3A, %swap3A_215], %broadcast_in_dim3A_214 {strides = array<i32>} : memref<1x1xf32, #tpu.memory_space<vmem>>, vector<1x1xf32>,
    return
  }
}

</mosaic_0001>

<sc_bundles>
// kernel: kernel.4.cloned.1.call-start
scs
__scs_entry_jumppad:
0x0: {  	(pc) =	sbr.rel $0x88, $3  }
0x1: {  	(tag) =	ssettag $0x0;
	lr =	simm.s32 $0x1  }
0x2: {  	[smem:$0x3F9F] =	sst lr;
	_ =	strace $0xD0000000  }
0x3: {  	_ = 	snop  }
0x4: {  	_ = 	snop  }
0x5: {  	_ = 	snop  }
0x6: {  	_ = 	snop  }
0x7: {  	_ = 	snop  }
__scs_overlays_trampoline_lowered:
0x8: {  	[smem:$0x3FAE] =	sst s0  }
0x9: {  	[smem:$0x3FAF] =	sst s1  }
0xa: {  	[smem:$0x3FB0] =	sst s2  }
0xb: {  	[smem:$0x3FB1] =	sst s3  }
0xc: {  	[smem:$0x3FB2] =	sst s4  }
0xd: {  	[smem:$0x3FB3] =	sst s5  }
0xe: {  	[smem:$0x3FB4] =	sst s6  }
0xf: {  	[smem:$0x3FB5] =	sst s7  }
0x10: {  	[smem:$0x3FB6] =	sst s8  }
0x11: {  	[smem:$0x3FB7] =	sst s9;
	s0 =	simm.s32 @!p0 $0x0  }
0x12: {  	s1 =	sld [smem:$0x3F9D];
	s0 =	simm.s32 @p0 $0x1  }
0x13: {  	[smem:$0x3FB8] =	sst s0;
	s0 =	simm.s32 @!p1 $0x0  }
0x14: {  	s2 =	sld [smem:$0x3F9C];
	s0 =	simm.s32 @p1 $0x1  }
0x15: {  	[smem:$0x3FB9] =	sst s0;
	s0 =	simm.s32 @!p2 $0x0  }
0x16: {  	s3 =	sld [smem:$0x3FDB];
	s0 =	simm.s32 @p2 $0x1  }
0x17: {  	s4 =	simm.s32 $0x1BF5;
	[smem:$0x3FBB] =	sst s0  }
0x18: {  	s0 =	sld [smem:$0x3F9E];
	_ =	swait.ge [sflag:s4], $0x0  }
0x19: {  	s7 =	sld [smem:$0x3F9F]  }
0x1a: {  	s8 =	sadd.s32 $0xFFFFE003, lr  }
0x1b: {  	s9 =	sadd.s32 $0xFFFFFEF7, lr;
	s5 =	simm.s32 $0xFFFFFFFF;
	p2 =	slt.u32 s8, $0xFFFFF086  }
0x1c: {  	p1 =	slt.u32 s9, $0xF7A;
	s5 =	simm.s32 @!p2 $0x0  }
0x1d: {  	s5 =	simm.s32 @p1 $0x1;
	p0 =	seq.s32 s7, s2  }
0x1e: {  	s7 =	smul.u32 @!p0 $0xF7A, s2;
	p2 =	seq.s32 @!p0 s5, $0x0  }
0x1f: {  	s9 =	smul.u32 $0xF7A, s1;
	s8 =	simm.s32 @!p0 $0x1BF5;
	p2 =	por !p2, p0  }
0x20: {  	[sflag:s8] =	ssyncset.s32 @!p0 $0xFFFFF086;
	s6 =	sadd.s32 @!p0 s3, s7;
	s7 =	simm.s32 @!p0 $0x108  }
0x21: {  	s3 =	sadd.s32 s3, s9;
	s6 =	sadd.s32 @!p0 $0x88, s6;
	s7 =	simm.s32 @p2 $0x1082  }
0x22: {  	[simem:s7], [sflag:s8] =	dma.local @!p0 [hbm:s6], $0xF7A  }
0x23: {  	s9 =	sor.u32 $0xD0000000, s2;
	s6 =	simm.s32 $0x108;
	_ =	swait.ge @!p0 [sflag:s8], $0x0  }
0x24: {  	s3 =	sadd.s32 $0x88, s3;
	s6 =	simm.s32 @!p1 $0x1082;
	[sflag:s4] =	ssyncset.s32 $0xFFFFF086  }
0x25: {  	[simem:s6], [sflag:s4] =	dma.local [hbm:s3], $0xF7A  }
0x26: {  	[smem:$0x3F9F] =	sst s1;
	(tag) =	ssettag s2;
	_ =	strace s9  }
0x27: {  	s1 =	sld [smem:$0x3FAF]  }
0x28: {  	s2 =	sld [smem:$0x3FB0]  }
0x29: {  	s4 =	sld [smem:$0x3FB2]  }
0x2a: {  	p0 =	seq.s32 s5, $0x0;
	s5 =	sld [smem:$0x3FB3]  }
0x2b: {  	s6 =	sld [smem:$0x3FB4]  }
0x2c: {  	s7 =	sld [smem:$0x3FB5]  }
0x2d: {  	s3 =	simm.s32 $0x108;
	s8 =	sld [smem:$0x3FB6]  }
0x2e: {  	s3 =	simm.s32 @!p0 $0x1082;
	s9 =	sld [smem:$0x3FB7]  }
0x2f: {  	lr =	sadd.s32 s0, s3;
	s0 =	sld [smem:$0x3FAE]  }
0x30: {  	s3 =	sld [smem:$0x3FB1]  }
0x31: {  	[smem:$0x3FBA] =	sst s10  }
0x32: {  	s10 =	sld [smem:$0x3FB8];
	_ =	sdelay $0x3  }
0x33: {  	p0 =	seq.s32 s10, $0x1;
	s10 =	sld [smem:$0x3FBA];
	_ =	sdelay $0x3  }
0x34: {  	[smem:$0x3FBA] =	sst s10  }
0x35: {  	s10 =	sld [smem:$0x3FB9];
	_ =	sdelay $0x3  }
0x36: {  	p1 =	seq.s32 s10, $0x1;
	s10 =	sld [smem:$0x3FBA];
	_ =	sdelay $0x3  }
0x37: {  	[smem:$0x3FBA] =	sst s10  }
0x38: {  	s10 =	sld [smem:$0x3FBB]  }
0x39: {  	_ = 	snop;
	(pc) =	sbr.ind lr, $3  }
0x3a: {  	_ = 	snop  }
0x3b: {  	_ = 	snop  }
0x3c: {  	p2 =	seq.s32 s10, $0x1;
	s10 =	sld [smem:$0x3FBA]  }
0x3d: {  	_ =	shalt  }
0x3e: {  	_ =	shalt  }
0x3f: {  	_ =	shalt  }
0x40: {  	_ =	shalt  }
0x41: {  	_ =	shalt  }
0x42: {  	_ =	shalt  }
0x43: {  	_ =	shalt  }
0x44: {  	_ =	shalt  }
0x45: {  	_ =	shalt  }
0x46: {  	_ =	shalt  }
0x47: {  	_ =	shalt  }
0x48: {  	_ =	shalt  }
0x49: {  	_ =	shalt  }
0x4a: {  	_ =	shalt  }
0x4b: {  	_ =	shalt  }
0x4c: {  	_ =	shalt  }
0x4d: {  	_ =	shalt  }
0x4e: {  	_ =	shalt  }
0x4f: {  	_ =	shalt  }
0x50: {  	_ =	shalt  }
0x51: {  	_ =	shalt  }
0x52: {  	_ =	shalt  }
0x53: {  	_ =	shalt  }
0x54: {  	_ =	shalt  }
0x55: {  	_ =	shalt  }
0x56: {  	_ =	shalt  }
0x57: {  	_ =	shalt  }
0x58: {  	_ =	shalt  }
0x59: {  	_ =	shalt  }
0x5a: {  	_ =	shalt  }
0x5b: {  	_ =	shalt  }
0x5c: {  	_ =	shalt  }
0x5d: {  	_ =	shalt  }
0x5e: {  	_ =	shalt  }
0x5f: {  	_ =	shalt  }
0x60: {  	_ =	shalt  }
0x61: {  	_ =	shalt  }
0x62: {  	_ =	shalt  }
0x63: {  	_ =	shalt  }
0x64: {  	_ =	shalt  }
0x65: {  	_ =	shalt  }
0x66: {  	_ =	shalt  }
0x67: {  	_ =	shalt  }
0x68: {  	_ =	shalt  }
0x69: {  	_ =	shalt  }
0x6a: {  	_ =	shalt  }
0x6b: {  	_ =	shalt  }
0x6c: {  	_ =	shalt  }
0x6d: {  	_ =	shalt  }
0x6e: {  	_ =	shalt  }
0x6f: {  	_ =	shalt  }
0x70: {  	_ =	shalt  }
0x71: {  	_ =	shalt  }
0x72: {  	_ =	shalt  }
0x73: {  	_ =	shalt  }
0x74: {  	_ =	shalt  }
0x75: {  	_ =	shalt  }
0x76: {  	_ =	shalt  }
0x77: {  	_ =	shalt  }
0x78: {  	_ =	shalt  }
0x79: {  	_ =	shalt  }
0x7a: {  	_ =	shalt  }
0x7b: {  	_ =	shalt  }
0x7c: {  	_ =	shalt  }
0x7d: {  	_ =	shalt  }
0x7e: {  	_ =	shalt  }
0x7f: {  	_ =	shalt  }
0x80: {  	_ =	shalt  }
0x81: {  	_ =	shalt  }
0x82: {  	_ =	shalt  }
0x83: {  	_ =	shalt  }
0x84: {  	_ =	shalt  }
0x85: {  	_ =	shalt  }
0x86: {  	_ =	shalt  }
0x87: {  	_ =	shalt  }
.Lfunc_end0:
.L_simem_size_0:
called_computation_lowered:
.L_overlay_start_0:
0x88: {  	s2 =	sld [smem:$0x3FD9]  }
0x89: {  	s3 =	sld [smem:$0x3FFE];
	_ =	sdelay $0x1  }
0x8a: {  	s1 =	srdreg.scid  }
0x8b: {  	s0 =	sand.u32 $0x1, s1  }
0x8c: {  	s17 =	sshll.u32 s0, $0xA;
	s2 =	sadd.s32 s3, s2  }
0x8d: {  	s2 =	sadd.s32 s2, s17  }
0x8e: {  	[smem:$0x3FC6] =	sst s2  }
0x8f: {  	_ = 	snop  }
0x90: {  	s2 =	sld [smem:$0x3FC9]  }
0x91: {  	s18 =	sld [smem:$0x3FC8];
	(tm) =	ssettm $0x1  }
0x92: {  	s4 =	sld [smem:$0x3FFB];
	_ =	sdelay $0x3  }
0x93: {  	_ =	strace s4  }
0x94: {  	s4 =	sld [smem:$0x3FFC];
	_ =	sdelay $0x3  }
0x95: {  	_ =	strace s4  }
0x96: {  	s4 =	sld [smem:$0x3FFD];
	_ =	sdelay $0x3  }
0x97: {  	_ =	strace s4  }
0x98: {  	_ =	strace $0x8FFFFFFF  }
0x99: {  	s19 =	sld [smem:$0x3FDB];
	_ =	sdelay $0x1  }
0x9a: {  	s5 =	simm.s32 $_scs_section_size  }
0x9b: {  	s6 =	simm.s32 $_size__tile_overlayer_lowered;
	s7 =	simm.s32 $_tile_overlayer_lowered  }
0x9c: {  	s22 =	simm.s32 $0x1BFF;
	s21 =	sshll.u32 s7, $0x1;
	s4 =	sadd.s32 s5, s19  }
0x9d: {  	s8 =	simm.s32 $0x0;
	s20 =	sshll.u32 s6, $0x1;
	s6 =	sadd.s32 s21, s4  }
0x9e: {  	[timem:s8], [sflag:s22] =	dma.local [hbm:s6], s20  }
0x9f: {  	_ =	swait.ge [sflag:s22], s20  }
0xa0: {  	s5 =	ssub.s32 $0x0, s20;
	[sflag:s22] =	ssyncset.done $0x0  }
0xa1: {  	[sflag:s22] =	ssyncadd.s32 s5;
	_ =	sdelay $0x1  }
0xa2: {  	s23 =	simm.s32 $0x1B8B  }
0xa3: {  	_ =	swait.ge [sflag:s23], $0x1  }
0xa4: {  	[sflag:s23] =	ssyncset.done $0x0  }
0xa5: {  	s25 =	simm.s32 $0x1B8E;
	s24 =	sld [smem:$0x3FFE];
	[sflag:s23] =	ssyncadd.s32 $0xFFFFFFFF  }
0xa6: {  	s26 =	simm.s32 $execute0_lowered;
	[smem:$0x3FD2] =	sst s25  }
0xa7: {  	s6 =	sshll.u32 s26, $0x1;
	_ =	strace $0x80000046;
	[dreg:$0x1] =	wrdreg $0xFFFFFFFF  }
0xa8: {  	s28 =	simm.s32 $_size_execute0_lowered;
	s4 =	sadd.s32 s4, s6;
	[dreg:$0x0] =	wrdreg $0x0  }
0xa9: {  	s6 =	sshll.u32 s28, $0x1;
	[dreg:$0x2] =	wrdreg s4  }
0xaa: {  	[dreg:$0x3] =	wrdreg s6  }
0xab: {  	[dreg:$0x4] =	wrdreg $0xC0  }
0xac: {  	_ =	task [dreg:s8], $0x5FFFF  }
0xad: {  	[dreg:$0x1] =	wrdreg $0xFFFFFFFF  }
0xae: {  	[dreg:$0x0] =	wrdreg $0x60  }
0xaf: {  	[dreg:$0x2] =	wrdreg s2  }
0xb0: {  	[dreg:$0x3] =	wrdreg s18  }
0xb1: {  	[dreg:$0x4] =	wrdreg s24  }
0xb2: {  	[dreg:$0x5] =	wrdreg $0x9  }
0xb3: {  	_ =	task.clear_ibuf [dreg:s8], $0x6FFFF;
	_ =	strace $0x90000046  }
0xb4: {  	s29 =	simm.s32 $0x9;
	_ =	strace $0x80000048  }
0xb5: {  	_ =	swait.ge [sflag:s29], $0x1  }
0xb6: {  	[sflag:s29] =	ssyncadd.s32 $0xFFFFFFFF  }
0xb7: {  	_ =	strace $0x90000048  }
0xb8: {  	_ =	sfence  }
0xb9: {  	s30 =	sld [smem:$0x0];
	_ =	sdelay $0x2  }
0xba: {  	s31 =	sshll.u32 s1, $0xD;
	s1 =	sshrl.u32 s1, $0x2  }
0xbb: {  	s3 =	sand.u32 $0x4000, s31;
	s1 =	sadd.s32 s1, s30  }
0xbc: {  	s0 =	sor.u32 s3, s0;
	s1 =	sshll.u32 s1, $0x11  }
0xbd: {  	s0 =	sor.u32 s1, s0  }
0xbe: {  	s0 =	sadd.s32 $0x8F2B, s0  }
0xbf: {  	[sflag:s0] =	ssyncadd.remote.s32 $0x1  }
0xc0: {  	_ =	sfence.sel $0xFFFF  }
0xc1: {  	[dreg:$0x0] =	wrdreg $0xFFFFFFFF;
	(pc) =	sbr.abs _section_cstart, $3  }
0xc2: {  	[dreg:$0x1] =	wrdreg $0xFFFFFFFF  }
0xc3: {  	_ =	task.clear_ibuf [dreg:s8], $0x2FFFF;
	_ =	strace $0x9FFFFFFF  }
0xc4: {  	(tm) =	ssettm $0x7FFFFFFF  }
0xc5: {  	_ =	shalt  }
tec
execute0_lowered:
.L_overlay_start_1:
0x0: {  	(tag) =	ssettag $0x1  }
0x1: {  	s1 =	rddreg [dreg:$0x0]  }
0x2: {  	s3 =	rddreg [dreg:$0x1]  }
0x3: {  	s5 =	rddreg [dreg:$0x2]  }
0x4: {  	s0 =	rddreg [dreg:$0x3]  }
0x5: {  	s6 =	srdreg.scid;
	s2 =	stileid.u32  }
0x6: {  	s4 =	simm.s32 $0x0;
	s13 =	simm.s32 $0x10000;
	s14 =	simm.s32 $0x14000  }
0x7: {  	s15 =	simm.s32 $0x12000;
	s16 =	simm.s32 $0x16000;
	s17 =	simm.s32 $0x1  }
0x8: {  	s18 =	simm.s32 $0x3;
	s19 =	simm.s32 $0x2;
	s20 =	simm.s32 $0x4  }
0x9: {  	s21 =	simm.s32 $0x5;
	s6 =	sand.u32 $0x1, s6;
	s7 =	sshll.u32 s2, $0x1  }
0xa: {  	s22 =	simm.s32 $0x0;
	[smem:$0x7FF] =	sst s4;
	s7 =	sor.u32 s6, s7  }
0xb: {  	_ =	strace $0x80000047;
	s6 =	ssub.s32 $0x2, s6;
	s8 =	sshll.u32 s7, $0xD  }
.Ltmp0:
0xc: {  	s30 =	sshrl.u32 s6, $0x1;
	s31 =	sshll.u32 s7, $0xF;
	(pc) =	sbr.rel .LBB2_1-.Ltmp0, $4  }
0xd: {  	s10 =	sshll.u32 s7, $0x12;
	s11 =	sadd.s32 s8, s5;
	s12 =	ssub.s32 s6, s30  }
0xe: {  	s9 =	sor.u32 $0x400, s31;
	s5 =	sadd.s32 s1, s31;
	s6 =	sadd.s32 s3, s31  }
0xf: {  	s7 =	sadd.s32 s1, s9;
	s8 =	sadd.s32 s3, s9;
	s9 =	sor.u32 $0x4000, s10  }
0x10: {  	v0 =	vimm.f32 $0.0e+00;
	v1 =	vimm.f32 $1.000000000e+00;
	s10 =	sor.u32 $0x6000, s10;
	s11 =	sadd.s32 $0x600, s11;
	s12 =	smax.u32 s12, $0x1  }
.LBB2_10:
0x11: {  	s22 =	sadd.s32 $0x1, s22  }
0x12: {  	p0 =	sne.s32 s22, s12  }
.Ltmp1:
0x13: {  	_ = 	snop;
	(pc) =	sbr.rel @!p0 .LBB2_11-.Ltmp1, $4  }
0x14: {  	[hbm4b:s11+s4] =	stream.linear.scatter [tilespmem:s4], [sflag:$0x5], $0x10000, $0x38;
	[tilespmem:$0x18000] =	vst v63  }
0x15: {  	_ =	swait.ge [sflag:s21], $0x10000  }
0x16: {  	[sflag:s21] =	ssyncset.done $0x0  }
0x17: {  	[sflag:s21] =	ssyncadd.s32 $0xFFFF0000  }
.LBB2_1:
0x18: {  	[tilespmem:s13], [sflag:$0x1] =	stream.linear.gather [hbm4b:s5+s4], $0x2000, $0x38;
	[tilespmem:$0x18000] =	vst v63  }
0x19: {  	_ = 	snop  }
0x1a: {  	[tilespmem:s14], [sflag:$0x3] =	stream.linear.gather [hbm4b:s6+s4], $0x2000, $0x38;
	[tilespmem:$0x18000] =	vst v63  }
0x1b: {  	s23 =	sand.u32 $0xF800, s4;
	s24 =	sand.u32 $0x380, s4  }
0x1c: {  	[tilespmem:s15], [sflag:$0x2] =	stream.linear.gather [hbm4b:s7+s4], $0x2000, $0x38;
	[tilespmem:$0x18000] =	vst v63  }
0x1d: {  	s23 =	sor.u32 s24, s23  }
0x1e: {  	[tilespmem:s16], [sflag:$0x4] =	stream.linear.gather [hbm4b:s8+s4], $0x2000, $0x38;
	[tilespmem:$0x18000] =	vst v63  }
0x1f: {  	[tilespmem:s23+$0x470] =	vst v0  }
0x20: {  	[tilespmem:s23+$0x0] =	vst v0  }
0x21: {  	[tilespmem:s23+$0x10] =	vst v0  }
0x22: {  	[tilespmem:s23+$0x20] =	vst v0  }
0x23: {  	[tilespmem:s23+$0x30] =	vst v0  }
0x24: {  	[tilespmem:s23+$0x40] =	vst v0  }
0x25: {  	[tilespmem:s23+$0x50] =	vst v0  }
0x26: {  	[tilespmem:s23+$0x60] =	vst v0  }
0x27: {  	[tilespmem:s23+$0x70] =	vst v0  }
0x28: {  	[tilespmem:s23+$0x400] =	vst v0  }
0x29: {  	[tilespmem:s23+$0x410] =	vst v0  }
0x2a: {  	[tilespmem:s23+$0x420] =	vst v0  }
0x2b: {  	[tilespmem:s23+$0x430] =	vst v0  }
0x2c: {  	s25 =	simm.s32 $0x100;
	s24 =	simm.s32 $0x80;
	[tilespmem:s23+$0x440] =	vst v0  }
0x2d: {  	s26 =	sand.u32 $0xF800, s25;
	s25 =	simm.s32 $0x200;
	s28 =	sand.u32 $0x380, s24;
	[tilespmem:s23+$0x450] =	vst v0  }
.LBB2_2:
0x2e: {  	p0 =	sne.s32 s25, $0xFF00;
	[tilespmem:s23+$0x460] =	vst v0;
	s23 =	sor.u32 s28, s26  }
0x2f: {  	[tilespmem:s23+$0x470] =	vst v0  }
0x30: {  	[tilespmem:s23+$0x0] =	vst v0  }
0x31: {  	[tilespmem:s23+$0x10] =	vst v0  }
0x32: {  	[tilespmem:s23+$0x20] =	vst v0  }
0x33: {  	[tilespmem:s23+$0x30] =	vst v0  }
0x34: {  	[tilespmem:s23+$0x40] =	vst v0  }
0x35: {  	[tilespmem:s23+$0x50] =	vst v0  }
0x36: {  	[tilespmem:s23+$0x60] =	vst v0  }
0x37: {  	[tilespmem:s23+$0x70] =	vst v0  }
0x38: {  	[tilespmem:s23+$0x400] =	vst v0  }
.Ltmp2:
0x39: {  	[tilespmem:s23+$0x410] =	vst v0;
	(pc) =	sbr.rel @p0 .LBB2_2-.Ltmp2, $4  }
0x3a: {  	[tilespmem:s23+$0x420] =	vst v0  }
0x3b: {  	[tilespmem:s23+$0x430] =	vst v0  }
0x3c: {  	s24 =	sadd.s32 $0x80, s24;
	[tilespmem:s23+$0x440] =	vst v0  }
0x3d: {  	s26 =	sand.u32 $0xF800, s25;
	s25 =	sadd.s32 $0x100, s25;
	s28 =	sand.u32 $0x380, s24;
	[tilespmem:s23+$0x450] =	vst v0  }
0x3e: {  	s24 =	sor.u32 s28, s26;
	[tilespmem:s23+$0x460] =	vst v0  }
0x3f: {  	[tilespmem:s24+$0x470] =	vst v0  }
0x40: {  	[tilespmem:s24+$0x0] =	vst v0  }
0x41: {  	[tilespmem:s24+$0x10] =	vst v0  }
0x42: {  	[tilespmem:s24+$0x20] =	vst v0  }
0x43: {  	[tilespmem:s24+$0x30] =	vst v0  }
0x44: {  	[tilespmem:s24+$0x40] =	vst v0  }
0x45: {  	[tilespmem:s24+$0x50] =	vst v0  }
0x46: {  	[tilespmem:s24+$0x60] =	vst v0  }
0x47: {  	[tilespmem:s24+$0x70] =	vst v0  }
0x48: {  	[tilespmem:s24+$0x400] =	vst v0  }
0x49: {  	[tilespmem:s24+$0x410] =	vst v0  }
0x4a: {  	[tilespmem:s24+$0x420] =	vst v0  }
0x4b: {  	[tilespmem:s24+$0x430] =	vst v0  }
0x4c: {  	[tilespmem:s24+$0x440] =	vst v0  }
0x4d: {  	[tilespmem:s24+$0x450] =	vst v0  }
0x4e: {  	s23 =	simm.s32 $0x0;
	[tilespmem:s24+$0x460] =	vst v0  }
.LBB2_4:
0x4f: {  	_ =	swait.ge [sflag:s17], $0x2000  }
0x50: {  	[sflag:s17] =	ssyncset.done $0x0  }
0x51: {  	[sflag:s17] =	ssyncadd.s32 $0xFFFFE000  }
0x52: {  	_ =	swait.ge [sflag:s18], $0x2000  }
0x53: {  	[sflag:s18] =	ssyncset.done $0x0  }
0x54: {  	s25 =	simm.s32 $0x10040;
	[sflag:s18] =	ssyncadd.s32 $0xFFFFE000  }
0x55: {  	s24 =	simm.s32 $0x14040;
	v5 =	vld [tilespmem:s25+$0x30]  }
0x56: {  	v6 =	vld [tilespmem:s24+$0x30]  }
0x57: {  	v2 =	vld [tilespmem:s24+$0xFFFFFFC0]  }
0x58: {  	v8 =	vld [tilespmem:s25+$0xFFFFFFD0]  }
0x59: {  	v9 =	vld [tilespmem:s25+$0xFFFFFFE0]  }
0x5a: {  	v4 =	vld [tilespmem:s24+$0xFFFFFFE0]  }
0x5b: {  	v11 =	vld [tilespmem:s25+$0xFFFFFFF0]  }
0x5c: {  	v14 =	vld [tilespmem:s25+$0x0]  }
0x5d: {  	v18 =	vld [tilespmem:s25+$0x10]  }
0x5e: {  	v21 =	vld [tilespmem:s25+$0x20];
	v7 =	vshll.u32 v5, $0x8;
	v10 =	vshll.u32 v6, $0x3  }
0x5f: {  	v12 =	vshll.u32 v5, $0x7;
	v13 =	vshll.u32 v2, $0x3;
	v15 =	vand.u32 $0x7F, v6  }
0x60: {  	v16 =	vshll.u32 v9, $0x8;
	v17 =	vshll.u32 v4, $0x3;
	v19 =	vshll.u32 v11, $0x8  }
0x61: {  	v22 =	vshll.u32 v8, $0x7;
	v23 =	vshll.u32 v14, $0x8;
	v24 =	vshll.u32 v9, $0x7  }
0x62: {  	v26 =	vshll.u32 v11, $0x7;
	v62 =	vshll.u32 v18, $0x8;
	v14 =	vshll.u32 v14, $0x7  }
0x63: {  	v3 =	vld [tilespmem:s24+$0xFFFFFFD0];
	v28 =	vshll.u32 v18, $0x7;
	v18 =	vshll.u32 v21, $0x8;
	v21 =	vshll.u32 v21, $0x7  }
0x64: {  	v25 =	vld [tilespmem:s25+$0xFFFFFFC0];
	v7 =	vand.u32 $0xFFFFF800, v7;
	v10 =	vand.u32 $0xFFFFFC00, v10;
	v13 =	vand.u32 $0xFFFFFC00, v13  }
0x65: {  	v16 =	vand.u32 $0xFFFFF800, v16;
	v17 =	vand.u32 $0xFFFFFC00, v17;
	v19 =	vand.u32 $0xFFFFF800, v19  }
0x66: {  	v5 =	vld [tilespmem:s24+$0xFFFFFFF0];
	v9 =	vand.u32 $0xFFFFF800, v23;
	v23 =	vand.u32 $0xFFFFF800, v62;
	v18 =	vand.u32 $0xFFFFF800, v18  }
0x67: {  	v6 =	vld [tilespmem:s24+$0x0];
	v22 =	vand.u32 $0x380, v22;
	v24 =	vand.u32 $0x380, v24;
	v7 =	vadd.s32 v7, v10  }
0x68: {  	v10 =	vand.u32 $0x380, v12;
	v12 =	vshll.u32 v8, $0x8;
	v8 =	vld [tilespmem:s24+$0x20];
	v30 =	vadd.s32 v16, v17  }
0x69: {  	v17 =	vshll.u32 v25, $0x7;
	v7 =	vor.u32 v10, v7;
	v10 =	vshll.u32 v3, $0x3  }
0x6a: {  	v12 =	vand.u32 $0xFFFFF800, v12;
	v63 =	vand.u32 $0x380, v17;
	v15 =	vor.u32 v15, v7;
	v7 =	vld [tilespmem:s24+$0x10]  }
0x6b: {  	v17 =	vand.u32 $0x380, v28;
	v10 =	vand.u32 $0xFFFFFC00, v10;
	v20 =	vshll.u32 v5, $0x3  }
0x6c: {  	v61 =	vshll.u32 v6, $0x3;
	v29 =	vadd.s32 v12, v10;
	v12 =	vshll.u32 v25, $0x8  }
0x6d: {  	v20 =	vand.u32 $0xFFFFFC00, v20;
	v11 =	vand.u32 $0xFFFFFC00, v61;
	v10 =	vshll.u32 v8, $0x3  }
0x6e: {  	v16 =	vand.u32 $0xFFFFFC00, v10;
	v10 =	vadd.s32 v19, v20;
	v19 =	vand.u32 $0xFFFFF800, v12  }
0x6f: {  	v12 =	vadd.s32 v9, v11;
	v27 =	vshll.u32 v7, $0x3;
	v20 =	vadd.s32 v19, v13  }
0x70: {  	v9 =	vadd.s32 v18, v16;
	v18 =	vand.u32 $0x380, v26;
	v19 =	vand.u32 $0x380, v14  }
0x71: {  	[tilespmem:v15+s4+$0x0] =	vst.idx.add.f32.msk $0xffff, v1;
	v13 =	vand.u32 $0x380, v21;
	v15 =	vor.u32 v22, v29;
	v27 =	vand.u32 $0xFFFFFC00, v27  }
0x72: {  	s26 =	simm.s32 $0x100C0;
	s25 =	simm.s32 $0x0;
	v14 =	vor.u32 v24, v30;
	v16 =	vor.u32 v63, v20;
	v11 =	vadd.s32 v23, v27  }
.LBB2_5:
0x73: {  	v20 =	vld [tilespmem:s26+$0x30];
	v10 =	vor.u32 v18, v10;
	v12 =	vor.u32 v19, v12;
	v11 =	vor.u32 v17, v11;
	s24 =	sadd.s32 $0x80, s24  }
0x74: {  	s25 =	sadd.s32 $0x8, s25;
	v18 =	vand.u32 $0x7F, v2;
	v19 =	vand.u32 $0x7F, v3;
	v9 =	vor.u32 v13, v9;
	v17 =	vld [tilespmem:s24+$0x30]  }
0x75: {  	v4 =	vand.u32 $0x7F, v4;
	v5 =	vand.u32 $0x7F, v5;
	v6 =	vand.u32 $0x7F, v6;
	p0 =	slt.u32 s25, $0x1F8;
	v2 =	vld [tilespmem:s24+$0xFFFFFFC0]  }
0x76: {  	v7 =	vand.u32 $0x7F, v7;
	v8 =	vand.u32 $0x7F, v8;
	v16 =	vor.u32 v18, v16;
	v13 =	vld [tilespmem:s26+$0xFFFFFFD0]  }
0x77: {  	v15 =	vor.u32 v19, v15;
	v14 =	vor.u32 v4, v14;
	v10 =	vor.u32 v5, v10;
	v3 =	vld [tilespmem:s24+$0xFFFFFFD0]  }
0x78: {  	v12 =	vor.u32 v6, v12;
	v19 =	vor.u32 v7, v11;
	v21 =	vor.u32 v8, v9;
	v18 =	vld [tilespmem:s26+$0xFFFFFFE0]  }
0x79: {  	v5 =	vshll.u32 v20, $0x8;
	v4 =	vld [tilespmem:s24+$0xFFFFFFE0];
	v6 =	vshll.u32 v17, $0x3  }
0x7a: {  	v8 =	vshll.u32 v20, $0x7;
	v7 =	vand.u32 $0xFFFFF800, v5;
	v9 =	vld [tilespmem:s26+$0xFFFFFFF0];
	v6 =	vand.u32 $0xFFFFFC00, v6  }
0x7b: {  	v11 =	vshll.u32 v2, $0x3;
	v5 =	vld [tilespmem:s24+$0xFFFFFFF0];
	v6 =	vadd.s32 v7, v6;
	v7 =	vand.u32 $0x380, v8  }
0x7c: {  	v17 =	vand.u32 $0x7F, v17;
	v8 =	vshll.u32 v13, $0x8;
	v20 =	vld [tilespmem:s26+$0x0];
	v7 =	vor.u32 v7, v6  }
0x7d: {  	v22 =	vshll.u32 v3, $0x3;
	v23 =	vshll.u32 v18, $0x8;
	v6 =	vld [tilespmem:s24+$0x0];
	v17 =	vor.u32 v17, v7  }
0x7e: {  	v24 =	vand.u32 $0xFFFFFC00, v11;
	v11 =	vand.u32 $0xFFFFF800, v8;
	v8 =	vshll.u32 v4, $0x3;
	v25 =	vld [tilespmem:s26+$0x10]  }
0x7f: {  	v22 =	vand.u32 $0xFFFFFC00, v22;
	v23 =	vand.u32 $0xFFFFF800, v23;
	v26 =	vshll.u32 v9, $0x8;
	v7 =	vld [tilespmem:s24+$0x10]  }
0x80: {  	v27 =	vand.u32 $0xFFFFFC00, v8;
	v26 =	vand.u32 $0xFFFFF800, v26;
	v8 =	vshll.u32 v5, $0x3;
	v28 =	vld [tilespmem:s26+$0x20]  }
0x81: {  	v13 =	vshll.u32 v13, $0x7;
	v29 =	vand.u32 $0xFFFFFC00, v8;
	v30 =	vshll.u32 v20, $0x8;
	v8 =	vld [tilespmem:s24+$0x20]  }
0x82: {  	v18 =	vshll.u32 v18, $0x7;
	v30 =	vand.u32 $0xFFFFF800, v30;
	v31 =	vshll.u32 v6, $0x3;
	[tilespmem:v17+s4+$0x0] =	vst.idx.add.f32.msk $0xffff, v1  }
0x83: {  	v32 =	vshll.u32 v9, $0x7;
	v17 =	vld [tilespmem:s26+$0xFFFFFFC0];
	v9 =	vand.u32 $0xFFFFFC00, v31;
	v31 =	vshll.u32 v25, $0x8  }
0x84: {  	v20 =	vshll.u32 v20, $0x7;
	v31 =	vand.u32 $0xFFFFF800, v31;
	v33 =	vshll.u32 v7, $0x3;
	[tilespmem:v16+s4+$0x0] =	vst.idx.add.f32.msk $0xffff, v1  }
0x85: {  	v25 =	vshll.u32 v25, $0x7;
	v16 =	vand.u32 $0xFFFFFC00, v33;
	v33 =	vshll.u32 v28, $0x8;
	[tilespmem:v15+s4+$0x0] =	vst.idx.add.f32.msk $0xffff, v1  }
0x86: {  	v28 =	vshll.u32 v28, $0x7;
	v15 =	vand.u32 $0xFFFFF800, v33;
	v33 =	vshll.u32 v8, $0x3;
	[tilespmem:v14+s4+$0x0] =	vst.idx.add.f32.msk $0xffff, v1  }
0x87: {  	v14 =	vadd.s32 v11, v22;
	v22 =	vadd.s32 v23, v27;
	v23 =	vand.u32 $0xFFFFFC00, v33;
	[tilespmem:v10+s4+$0x0] =	vst.idx.add.f32.msk $0xffff, v1  }
0x88: {  	v10 =	vadd.s32 v26, v29;
	v11 =	vshll.u32 v17, $0x8;
	v17 =	vshll.u32 v17, $0x7;
	[tilespmem:v12+s4+$0x0] =	vst.idx.add.f32.msk $0xffff, v1  }
.Ltmp3:
0x89: {  	v12 =	vadd.s32 v30, v9;
	v26 =	vand.u32 $0xFFFFF800, v11;
	v11 =	vadd.s32 v31, v16;
	[tilespmem:v19+s4+$0x0] =	vst.idx.add.f32.msk $0xffff, v1;
	(pc) =	sbr.rel @p0 .LBB2_5-.Ltmp3, $4  }
0x8a: {  	v9 =	vadd.s32 v15, v23;
	v16 =	vadd.s32 v26, v24;
	v24 =	vand.u32 $0x380, v17;
	[tilespmem:v21+s4+$0x0] =	vst.idx.add.f32.msk $0xffff, v1  }
0x8b: {  	v15 =	vand.u32 $0x380, v13;
	v21 =	vand.u32 $0x380, v18;
	v18 =	vand.u32 $0x380, v32  }
0x8c: {  	v13 =	vand.u32 $0x380, v28;
	v19 =	vand.u32 $0x380, v20;
	v17 =	vand.u32 $0x380, v25  }
0x8d: {  	s26 =	sadd.s32 $0x80, s26;
	v15 =	vor.u32 v15, v14;
	v16 =	vor.u32 v24, v16;
	v14 =	vor.u32 v21, v22  }
0x8e: {  	v2 =	vand.u32 $0x7F, v2  }
0x8f: {  	v3 =	vand.u32 $0x7F, v3;
	v2 =	vor.u32 v2, v16  }
0x90: {  	v4 =	vand.u32 $0x7F, v4;
	v3 =	vor.u32 v3, v15  }
0x91: {  	v10 =	vor.u32 v18, v10;
	v5 =	vand.u32 $0x7F, v5;
	v4 =	vor.u32 v4, v14  }
0x92: {  	v12 =	vor.u32 v19, v12;
	v6 =	vand.u32 $0x7F, v6;
	v5 =	vor.u32 v5, v10  }
0x93: {  	v7 =	vand.u32 $0x7F, v7;
	v10 =	vor.u32 v17, v11;
	v6 =	vor.u32 v6, v12  }
0x94: {  	v9 =	vor.u32 v13, v9;
	v8 =	vand.u32 $0x7F, v8;
	v7 =	vor.u32 v7, v10;
	[tilespmem:v2+s4+$0x0] =	vst.idx.add.f32.msk $0xffff, v1  }
0x95: {  	v2 =	vor.u32 v8, v9;
	[tilespmem:v3+s4+$0x0] =	vst.idx.add.f32.msk $0xffff, v1  }
0x96: {  	[tilespmem:v4+s4+$0x0] =	vst.idx.add.f32.msk $0xffff, v1  }
0x97: {  	s24 =	sshll.u32 s23, $0xE;
	p0 =	seq.s32 s23, $0xF;
	[tilespmem:v5+s4+$0x0] =	vst.idx.add.f32.msk $0xffff, v1  }
0x98: {  	s25 =	sadd.s32 @!p0 s24, s9;
	[tilespmem:v6+s4+$0x0] =	vst.idx.add.f32.msk $0xffff, v1  }
0x99: {  	s25 =	sshrl.u32 @!p0 s25, $0x3;
	[tilespmem:v7+s4+$0x0] =	vst.idx.add.f32.msk $0xffff, v1  }
0x9a: {  	s28 =	simm.s32 @!p0 $0x0;
	s29 =	simm.s32 @!p0 $0x10000;
	s26 =	sadd.s32 @!p0 s1, s25;
	[tilespmem:v2+s4+$0x0] =	vst.idx.add.f32.msk $0xffff, v1  }
0x9b: {  	[tilespmem:s29], [sflag:$0x1] =	stream.linear.gather @!p0 [hbm4b:s26+s28], $0x2000, $0x38;
	[tilespmem:$0x18000] =	vst v63  }
0x9c: {  	s25 =	sadd.s32 @!p0 s3, s25;
	s26 =	simm.s32 @!p0 $0x14000  }
0x9d: {  	[tilespmem:s26], [sflag:$0x3] =	stream.linear.gather @!p0 [hbm4b:s25+s28], $0x2000, $0x38;
	[tilespmem:$0x18000] =	vst v63  }
0x9e: {  	_ =	swait.ge [sflag:s19], $0x2000  }
0x9f: {  	[sflag:s19] =	ssyncset.done $0x0  }
0xa0: {  	[sflag:s19] =	ssyncadd.s32 $0xFFFFE000  }
0xa1: {  	_ =	swait.ge [sflag:s20], $0x2000  }
0xa2: {  	[sflag:s20] =	ssyncset.done $0x0  }
0xa3: {  	s31 =	simm.s32 $0x12040;
	[sflag:s20] =	ssyncadd.s32 $0xFFFFE000  }
0xa4: {  	s25 =	simm.s32 $0x16040;
	v5 =	vld [tilespmem:s31+$0x30]  }
0xa5: {  	v6 =	vld [tilespmem:s25+$0x30]  }
0xa6: {  	v2 =	vld [tilespmem:s25+$0xFFFFFFC0]  }
0xa7: {  	v8 =	vld [tilespmem:s31+$0xFFFFFFD0]  }
0xa8: {  	v9 =	vld [tilespmem:s31+$0xFFFFFFE0]  }
0xa9: {  	v4 =	vld [tilespmem:s25+$0xFFFFFFE0]  }
0xaa: {  	v11 =	vld [tilespmem:s31+$0xFFFFFFF0]  }
0xab: {  	v14 =	vld [tilespmem:s31+$0x0]  }
0xac: {  	v18 =	vld [tilespmem:s31+$0x10]  }
0xad: {  	v21 =	vld [tilespmem:s31+$0x20];
	v7 =	vshll.u32 v5, $0x8;
	v10 =	vshll.u32 v6, $0x3  }
0xae: {  	v12 =	vshll.u32 v5, $0x7;
	v13 =	vshll.u32 v2, $0x3;
	v15 =	vand.u32 $0x7F, v6  }
0xaf: {  	v16 =	vshll.u32 v9, $0x8;
	v17 =	vshll.u32 v4, $0x3;
	v19 =	vshll.u32 v11, $0x8  }
0xb0: {  	v22 =	vshll.u32 v8, $0x7;
	v23 =	vshll.u32 v14, $0x8;
	v24 =	vshll.u32 v9, $0x7  }
0xb1: {  	v26 =	vshll.u32 v11, $0x7;
	v62 =	vshll.u32 v18, $0x8;
	v14 =	vshll.u32 v14, $0x7  }
0xb2: {  	v3 =	vld [tilespmem:s25+$0xFFFFFFD0];
	v28 =	vshll.u32 v18, $0x7;
	v18 =	vshll.u32 v21, $0x8;
	v21 =	vshll.u32 v21, $0x7  }
0xb3: {  	v25 =	vld [tilespmem:s31+$0xFFFFFFC0];
	v7 =	vand.u32 $0xFFFFF800, v7;
	v10 =	vand.u32 $0xFFFFFC00, v10;
	v13 =	vand.u32 $0xFFFFFC00, v13  }
0xb4: {  	v16 =	vand.u32 $0xFFFFF800, v16;
	v17 =	vand.u32 $0xFFFFFC00, v17;
	v19 =	vand.u32 $0xFFFFF800, v19  }
0xb5: {  	v5 =	vld [tilespmem:s25+$0xFFFFFFF0];
	v9 =	vand.u32 $0xFFFFF800, v23;
	v23 =	vand.u32 $0xFFFFF800, v62;
	v18 =	vand.u32 $0xFFFFF800, v18  }
0xb6: {  	v6 =	vld [tilespmem:s25+$0x0];
	v22 =	vand.u32 $0x380, v22;
	v24 =	vand.u32 $0x380, v24;
	v7 =	vadd.s32 v7, v10  }
0xb7: {  	v10 =	vand.u32 $0x380, v12;
	v12 =	vshll.u32 v8, $0x8;
	v8 =	vld [tilespmem:s25+$0x20];
	v30 =	vadd.s32 v16, v17  }
0xb8: {  	v17 =	vshll.u32 v25, $0x7;
	v7 =	vor.u32 v10, v7;
	v10 =	vshll.u32 v3, $0x3  }
0xb9: {  	v12 =	vand.u32 $0xFFFFF800, v12;
	v63 =	vand.u32 $0x380, v17;
	v15 =	vor.u32 v15, v7;
	v7 =	vld [tilespmem:s25+$0x10]  }
0xba: {  	v17 =	vand.u32 $0x380, v28;
	v10 =	vand.u32 $0xFFFFFC00, v10;
	v20 =	vshll.u32 v5, $0x3  }
0xbb: {  	v61 =	vshll.u32 v6, $0x3;
	v29 =	vadd.s32 v12, v10;
	v12 =	vshll.u32 v25, $0x8  }
0xbc: {  	v20 =	vand.u32 $0xFFFFFC00, v20;
	v11 =	vand.u32 $0xFFFFFC00, v61;
	v10 =	vshll.u32 v8, $0x3  }
0xbd: {  	v16 =	vand.u32 $0xFFFFFC00, v10;
	v10 =	vadd.s32 v19, v20;
	v19 =	vand.u32 $0xFFFFF800, v12  }
0xbe: {  	v12 =	vadd.s32 v9, v11;
	v27 =	vshll.u32 v7, $0x3;
	v20 =	vadd.s32 v19, v13  }
0xbf: {  	v9 =	vadd.s32 v18, v16;
	v18 =	vand.u32 $0x380, v26;
	v19 =	vand.u32 $0x380, v14  }
0xc0: {  	[tilespmem:v15+s4+$0x0] =	vst.idx.add.f32.msk $0xffff, v1;
	v13 =	vand.u32 $0x380, v21;
	v15 =	vor.u32 v22, v29;
	v27 =	vand.u32 $0xFFFFFC00, v27  }
0xc1: {  	s26 =	simm.s32 $0x0;
	s28 =	simm.s32 $0x120C0;
	v14 =	vor.u32 v24, v30;
	v16 =	vor.u32 v63, v20;
	v11 =	vadd.s32 v23, v27  }
.LBB2_7:
0xc2: {  	v20 =	vld [tilespmem:s28+$0x30];
	v10 =	vor.u32 v18, v10;
	v12 =	vor.u32 v19, v12;
	v11 =	vor.u32 v17, v11;
	s25 =	sadd.s32 $0x80, s25  }
0xc3: {  	s26 =	sadd.s32 $0x8, s26;
	v18 =	vand.u32 $0x7F, v2;
	v19 =	vand.u32 $0x7F, v3;
	v9 =	vor.u32 v13, v9;
	v17 =	vld [tilespmem:s25+$0x30]  }
0xc4: {  	v4 =	vand.u32 $0x7F, v4;
	v5 =	vand.u32 $0x7F, v5;
	v6 =	vand.u32 $0x7F, v6;
	p1 =	slt.u32 s26, $0x1F8;
	v2 =	vld [tilespmem:s25+$0xFFFFFFC0]  }
0xc5: {  	v7 =	vand.u32 $0x7F, v7;
	v8 =	vand.u32 $0x7F, v8;
	v16 =	vor.u32 v18, v16;
	v13 =	vld [tilespmem:s28+$0xFFFFFFD0]  }
0xc6: {  	v15 =	vor.u32 v19, v15;
	v14 =	vor.u32 v4, v14;
	v10 =	vor.u32 v5, v10;
	v3 =	vld [tilespmem:s25+$0xFFFFFFD0]  }
0xc7: {  	v12 =	vor.u32 v6, v12;
	v19 =	vor.u32 v7, v11;
	v21 =	vor.u32 v8, v9;
	v18 =	vld [tilespmem:s28+$0xFFFFFFE0]  }
0xc8: {  	v5 =	vshll.u32 v20, $0x8;
	v4 =	vld [tilespmem:s25+$0xFFFFFFE0];
	v6 =	vshll.u32 v17, $0x3  }
0xc9: {  	v8 =	vshll.u32 v20, $0x7;
	v7 =	vand.u32 $0xFFFFF800, v5;
	v9 =	vld [tilespmem:s28+$0xFFFFFFF0];
	v6 =	vand.u32 $0xFFFFFC00, v6  }
0xca: {  	v11 =	vshll.u32 v2, $0x3;
	v5 =	vld [tilespmem:s25+$0xFFFFFFF0];
	v6 =	vadd.s32 v7, v6;
	v7 =	vand.u32 $0x380, v8  }
0xcb: {  	v17 =	vand.u32 $0x7F, v17;
	v8 =	vshll.u32 v13, $0x8;
	v20 =	vld [tilespmem:s28+$0x0];
	v7 =	vor.u32 v7, v6  }
0xcc: {  	v22 =	vshll.u32 v3, $0x3;
	v23 =	vshll.u32 v18, $0x8;
	v6 =	vld [tilespmem:s25+$0x0];
	v17 =	vor.u32 v17, v7  }
0xcd: {  	v24 =	vand.u32 $0xFFFFFC00, v11;
	v11 =	vand.u32 $0xFFFFF800, v8;
	v8 =	vshll.u32 v4, $0x3;
	v25 =	vld [tilespmem:s28+$0x10]  }
0xce: {  	v22 =	vand.u32 $0xFFFFFC00, v22;
	v23 =	vand.u32 $0xFFFFF800, v23;
	v26 =	vshll.u32 v9, $0x8;
	v7 =	vld [tilespmem:s25+$0x10]  }
0xcf: {  	v27 =	vand.u32 $0xFFFFFC00, v8;
	v26 =	vand.u32 $0xFFFFF800, v26;
	v8 =	vshll.u32 v5, $0x3;
	v28 =	vld [tilespmem:s28+$0x20]  }
0xd0: {  	v13 =	vshll.u32 v13, $0x7;
	v29 =	vand.u32 $0xFFFFFC00, v8;
	v30 =	vshll.u32 v20, $0x8;
	v8 =	vld [tilespmem:s25+$0x20]  }
0xd1: {  	v18 =	vshll.u32 v18, $0x7;
	v30 =	vand.u32 $0xFFFFF800, v30;
	v31 =	vshll.u32 v6, $0x3;
	[tilespmem:v17+s4+$0x0] =	vst.idx.add.f32.msk $0xffff, v1  }
0xd2: {  	v32 =	vshll.u32 v9, $0x7;
	v17 =	vld [tilespmem:s28+$0xFFFFFFC0];
	v9 =	vand.u32 $0xFFFFFC00, v31;
	v31 =	vshll.u32 v25, $0x8  }
0xd3: {  	v20 =	vshll.u32 v20, $0x7;
	v31 =	vand.u32 $0xFFFFF800, v31;
	v33 =	vshll.u32 v7, $0x3;
	[tilespmem:v16+s4+$0x0] =	vst.idx.add.f32.msk $0xffff, v1  }
0xd4: {  	v25 =	vshll.u32 v25, $0x7;
	v16 =	vand.u32 $0xFFFFFC00, v33;
	v33 =	vshll.u32 v28, $0x8;
	[tilespmem:v15+s4+$0x0] =	vst.idx.add.f32.msk $0xffff, v1  }
0xd5: {  	v28 =	vshll.u32 v28, $0x7;
	v15 =	vand.u32 $0xFFFFF800, v33;
	v33 =	vshll.u32 v8, $0x3;
	[tilespmem:v14+s4+$0x0] =	vst.idx.add.f32.msk $0xffff, v1  }
0xd6: {  	v14 =	vadd.s32 v11, v22;
	v22 =	vadd.s32 v23, v27;
	v23 =	vand.u32 $0xFFFFFC00, v33;
	[tilespmem:v10+s4+$0x0] =	vst.idx.add.f32.msk $0xffff, v1  }
0xd7: {  	v10 =	vadd.s32 v26, v29;
	v11 =	vshll.u32 v17, $0x8;
	v17 =	vshll.u32 v17, $0x7;
	[tilespmem:v12+s4+$0x0] =	vst.idx.add.f32.msk $0xffff, v1  }
.Ltmp4:
0xd8: {  	v12 =	vadd.s32 v30, v9;
	v26 =	vand.u32 $0xFFFFF800, v11;
	v11 =	vadd.s32 v31, v16;
	[tilespmem:v19+s4+$0x0] =	vst.idx.add.f32.msk $0xffff, v1;
	(pc) =	sbr.rel @p1 .LBB2_7-.Ltmp4, $4  }
0xd9: {  	v9 =	vadd.s32 v15, v23;
	v16 =	vadd.s32 v26, v24;
	v24 =	vand.u32 $0x380, v17;
	[tilespmem:v21+s4+$0x0] =	vst.idx.add.f32.msk $0xffff, v1  }
0xda: {  	v15 =	vand.u32 $0x380, v13;
	v21 =	vand.u32 $0x380, v18;
	v18 =	vand.u32 $0x380, v32  }
0xdb: {  	v13 =	vand.u32 $0x380, v28;
	v19 =	vand.u32 $0x380, v20;
	v17 =	vand.u32 $0x380, v25  }
0xdc: {  	s28 =	sadd.s32 $0x80, s28;
	v15 =	vor.u32 v15, v14;
	v16 =	vor.u32 v24, v16;
	v14 =	vor.u32 v21, v22  }
0xdd: {  	v2 =	vand.u32 $0x7F, v2  }
0xde: {  	v3 =	vand.u32 $0x7F, v3;
	v2 =	vor.u32 v2, v16  }
0xdf: {  	v4 =	vand.u32 $0x7F, v4;
	v3 =	vor.u32 v3, v15  }
0xe0: {  	v10 =	vor.u32 v18, v10;
	v5 =	vand.u32 $0x7F, v5;
	v4 =	vor.u32 v4, v14  }
0xe1: {  	v12 =	vor.u32 v19, v12;
	v6 =	vand.u32 $0x7F, v6;
	v5 =	vor.u32 v5, v10  }
0xe2: {  	v63 =	vor.u32 v17, v11;
	v7 =	vand.u32 $0x7F, v7;
	v6 =	vor.u32 v6, v12  }
0xe3: {  	v9 =	vor.u32 v13, v9;
	v8 =	vand.u32 $0x7F, v8;
	v7 =	vor.u32 v7, v63;
	[tilespmem:v2+s4+$0x0] =	vst.idx.add.f32.msk $0xffff, v1  }
0xe4: {  	v2 =	vor.u32 v8, v9;
	[tilespmem:v3+s4+$0x0] =	vst.idx.add.f32.msk $0xffff, v1  }
.Ltmp5:
0xe5: {  	[tilespmem:v4+s4+$0x0] =	vst.idx.add.f32.msk $0xffff, v1;
	(pc) =	sbr.rel @p0 .LBB2_10-.Ltmp5, $4  }
0xe6: {  	[tilespmem:v5+s4+$0x0] =	vst.idx.add.f32.msk $0xffff, v1  }
0xe7: {  	[tilespmem:v6+s4+$0x0] =	vst.idx.add.f32.msk $0xffff, v1  }
0xe8: {  	[tilespmem:v7+s4+$0x0] =	vst.idx.add.f32.msk $0xffff, v1  }
0xe9: {  	[tilespmem:v2+s4+$0x0] =	vst.idx.add.f32.msk $0xffff, v1  }
0xea: {  	s24 =	sadd.s32 s24, s10  }
.Ltmp6:
0xeb: {  	s24 =	sshrl.u32 s24, $0x3;
	(pc) =	sbr.rel .LBB2_4-.Ltmp6, $4  }
0xec: {  	s25 =	sadd.s32 s1, s24  }
0xed: {  	[tilespmem:s15], [sflag:$0x2] =	stream.linear.gather [hbm4b:s25+s4], $0x2000, $0x38;
	[tilespmem:$0x18000] =	vst v63  }
0xee: {  	s23 =	sadd.s32 $0x1, s23;
	s24 =	sadd.s32 s3, s24  }
0xef: {  	[tilespmem:s16], [sflag:$0x4] =	stream.linear.gather [hbm4b:s24+s4], $0x2000, $0x38;
	[tilespmem:$0x18000] =	vst v63  }
.LBB2_11:
0xf0: {  	_ =	sfence.sel $0x180000  }
0xf1: {  	[bflag:$0x0] =	sbarrier.arrive $0xFFFF  }
0xf2: {  	p0 =	sne.s32 s2, $0x0;
	_ =	strace $0x90000047  }
0xf3: {  	s0 =	sadd.s32 @!p0 $0x100000, s0;
	[bflag:$0x2] =	sbarrier.arrive $0xFFFF  }
0xf4: {  	[sflag:s0] =	ssyncadd.tile.s32 @!p0 $0x1;
	_ =	shalt  }
.Lfunc_end2:
_tile_overlayer_lowered:
.L_overlay_start_2:
0xf5: {  	(tag) =	ssettag $0x2  }
0xf6: {  	s0 =	rddreg [dreg:$0x0];
	s2 =	stileid.u32  }
0xf7: {  	s1 =	rddreg [dreg:$0x1];
	p0 =	sne.s32 s2, $0x0  }
0xf8: {  	s3 =	rddreg [dreg:$0x2];
	[bflag:$0x3] =	sbarrier.arrive $0xFFFF;
	s2 =	simm.s32 @!p0 $0x1C05  }
0xf9: {  	[timem:s3], [sflag:s2] =	dma.local @!p0 [hbm:s0], s1  }
0xfa: {  	s0 =	simm.s32 @!p0 $0x5  }
0xfb: {  	_ =	swait.ge @!p0 [sflag:s0], s1  }
0xfc: {  	s1 =	ssub.s32 @!p0 $0x0, s1;
	[sflag:s0] =	ssyncset.done @!p0 $0x0  }
0xfd: {  	[sflag:s0] =	ssyncadd.s32 @!p0 s1  }
0xfe: {  	[bflag:$0x3] =	sbarrier.arrive $0xFFFF  }
0xff: {  	_ =	shalt  }

</sc_bundles>
